<compile_context>
chip_gen: v7x
topology: tpu7x:2x2x1
jax: 0.10.2.dev20260603
libtpu: 0.0.44.dev20260713+nightly
codegen_flags: <defaults>
</compile_context>

<pallas_src>
import jax
import jax.numpy as jnp
from jax import lax
from jax.experimental import pallas as pl
from jax.experimental.pallas import tpu as pltpu
from jax.experimental.pallas import tpu_sc as plsc

_VOCAB = 100000
_DIM = 300
_N_TOK = 65536
_N_SENT = 4096
_N_TEXT = 16
_SPT = _N_SENT // _N_TEXT

_NC = 2
_NS = 16
_NW = _NC * _NS
_L = 16

_DPAD = 304
_NSL = _DPAD // _L
_GCH = 64
_TOK_PER_W = _N_TOK // _NW
_N_CH = _TOK_PER_W // _GCH
_CNT_PER_S = _N_TOK // _NS
_N_CNT_CH = _CNT_PER_S // _GCH
_CNT_W = 16
_SENT_PER_S = _N_SENT // _NS


def _sc_body(tok2d, seg2d, table, ones_hbm, zrow_hbm, zcnt_hbm, part_out,
             tok_idx, seg_idx, cseg_idx, rows, ones_v, cnt_v, outbuf,
             sent_sum, sent_cnt, sem):
    c = lax.axis_index("c")
    s = lax.axis_index("s")
    wid = c * _NS + s

    pltpu.sync_copy(tok2d.at[pl.ds(wid * _N_CH, _N_CH)], tok_idx)
    pltpu.sync_copy(seg2d.at[pl.ds(wid * _N_CH, _N_CH)], seg_idx)
    pltpu.sync_copy(seg2d.at[pl.ds(s * _N_CNT_CH, _N_CNT_CH)], cseg_idx)
    pltpu.sync_copy(ones_hbm, ones_v)

    pltpu.sync_copy(zrow_hbm, sent_sum.at[pl.ds(s * _SENT_PER_S, _SENT_PER_S)])
    pltpu.sync_copy(zcnt_hbm, sent_cnt.at[pl.ds(s * _SENT_PER_S, _SENT_PER_S)])
    plsc.subcore_barrier()

    def cnt_body(j, carry):
        pltpu.sync_copy(ones_v, sent_cnt.at[cseg_idx.at[j]], add=True)
        return carry
    lax.fori_loop(0, _N_CNT_CH, cnt_body, 0)

    def gs_body(j, carry):
        pltpu.async_copy(table.at[tok_idx.at[j]], rows, sem).wait()
        pltpu.sync_copy(rows, sent_sum.at[seg_idx.at[j]], add=True)
        return carry
    lax.fori_loop(0, _N_CH, gs_body, 0)
    plsc.subcore_barrier()

    pltpu.sync_copy(sent_cnt.at[pl.ds(s * _SENT_PER_S, _SENT_PER_S)], cnt_v)
    acc = tuple(jnp.zeros((_L,), jnp.float32) for _ in range(_NSL))
    for half in range(_SENT_PER_S // _GCH):
        pltpu.sync_copy(
            sent_sum.at[pl.ds(s * _SENT_PER_S + half * _GCH, _GCH)], rows)

        def row_body(r, a, half=half):
            cvec = cnt_v[half * _GCH + r, :]
            scale = 1.0 / (float(_SPT) * jnp.maximum(cvec, 1.0))
            return tuple(a[j] + scale * rows[r, pl.ds(j * _L, _L)]
                         for j in range(_NSL))
        acc = lax.fori_loop(0, _GCH, row_body, acc)

    for j in range(_NSL):
        outbuf[pl.ds(j * _L, _L)] = acc[j]
    pltpu.sync_copy(outbuf, part_out.at[c, s])


@jax.jit
def _sc_encode(tok2d, seg2d, table, ones, zrow, zcnt):
    mesh = plsc.VectorSubcoreMesh(core_axis_name="c", subcore_axis_name="s")
    return pl.kernel(
        _sc_body,
        out_type=jax.ShapeDtypeStruct((_NC, _N_TEXT, _DPAD), jnp.float32),
        mesh=mesh,
        compiler_params=pltpu.CompilerParams(use_tc_tiling_on_sc=False),
        scratch_types=[
            pltpu.VMEM((_N_CH, _GCH), jnp.int32),
            pltpu.VMEM((_N_CH, _GCH), jnp.int32),
            pltpu.VMEM((_N_CNT_CH, _GCH), jnp.int32),
            pltpu.VMEM((_GCH, _DPAD), jnp.float32),
            pltpu.VMEM((_GCH, _CNT_W), jnp.float32),
            pltpu.VMEM((_SENT_PER_S, _CNT_W), jnp.float32),
            pltpu.VMEM((_DPAD,), jnp.float32),
            pltpu.VMEM_SHARED((_N_SENT, _DPAD), jnp.float32),
            pltpu.VMEM_SHARED((_N_SENT, _CNT_W), jnp.float32),
            pltpu.SemaphoreType.DMA,
        ],
    )(tok2d, seg2d, table, ones, zrow, zcnt)


def _combine_body(p_ref, o_ref):
    o_ref[...] = p_ref[0, :, :_DIM] + p_ref[1, :, :_DIM]


@jax.jit
def _combine(part):
    return pl.pallas_call(
        _combine_body,
        out_shape=jax.ShapeDtypeStruct((_N_TEXT, _DIM), jnp.float32),
    )(part)


def kernel(token_ids, segment_ids, table):
    table_p = jnp.pad(table, ((0, 0), (0, _DPAD - _DIM)))
    tok2d = token_ids.reshape(_N_TOK // _GCH, _GCH)
    seg2d = segment_ids.reshape(_N_TOK // _GCH, _GCH)
    ones = jnp.ones((_GCH, _CNT_W), jnp.float32)
    zrow = jnp.zeros((_SENT_PER_S, _DPAD), jnp.float32)
    zcnt = jnp.zeros((_SENT_PER_S, _CNT_W), jnp.float32)
    part = _sc_encode(tok2d, seg2d, table_p, ones, zrow, zcnt)
    return _combine(part)

# --- scband reference (transcript-rebuilt; emitter-appended) ---
"""Pipeline reference for scband-fast-text-encoder-14190571946348 (READ-ONLY COPY).

The authoritative reference and input builder live on the scoring server;
editing this copy changes nothing except your own understanding.
"""

import jax, jax.numpy as jnp
import numpy as np

VOCAB = 100000
DIM = 300
N_TOK = 65536
N_SENT = 4096
N_TEXT = 16
SENT_PER_TEXT = N_SENT // N_TEXT


def setup_inputs(seed: int = 0) -> dict:
    key = jax.random.key(seed)
    k1, k2, k3 = jax.random.split(key, 3)
    token_ids = jax.random.randint(k1, (N_TOK,), 0, VOCAB, dtype=jnp.int32)
    segment_ids = jnp.sort(jax.random.randint(k2, (N_TOK,), 0, N_SENT, dtype=jnp.int32))
    # Learned parameter: fastText-style embedding table (encoding_dim = 300)
    table = jax.random.normal(k3, (VOCAB, DIM), dtype=jnp.float32) * 0.1
    return {"token_ids": token_ids, "segment_ids": segment_ids, "table": table}


def reference(token_ids, segment_ids, table):
    # FastTextEncoder.encode: per-token embedding lookup (self.model[token] -> 300-d vector)
    emb = jnp.take(table, token_ids, axis=0)  # [N_TOK, 300]
    # TextEncoder.reduce with EncodingLevel.SENTENCE: contiguous_mean over words_per_sentence
    ones = jnp.ones((emb.shape[0], 1), dtype=emb.dtype)
    sent_sum = jax.ops.segment_sum(emb, segment_ids, num_segments=N_SENT)
    sent_cnt = jax.ops.segment_sum(ones, segment_ids, num_segments=N_SENT)
    sent_mean = sent_sum / jnp.maximum(sent_cnt, 1.0)  # [N_SENT, 300]
    # TextEncoder.reduce with EncodingLevel.TEXT: contiguous_mean over sentences_per_text
    sent_to_text = jnp.arange(N_SENT, dtype=jnp.int32) // SENT_PER_TEXT
    text_sum = jax.ops.segment_sum(sent_mean, sent_to_text, num_segments=N_TEXT)
    text_mean = text_sum / float(SENT_PER_TEXT)  # [N_TEXT, 300]
    return text_mean

if __name__ == "__main__":
    import jax
    _d = setup_inputs()
    print(jax.jit(kernel)(*tuple(_d.values())))

</pallas_src>

<mosaic_0001>
#map = affine_map<(d0, d1) -> (0, 0)>
#map1 = affine_map<(d0, d1) -> (0, 0, 0)>
module attributes {stable_mosaic.version = 14 : i64} {
  func.func @_sc_body(%arg0: i32, %arg1: i32, %arg2: memref<1024x64xi32, #tpu.memory_space<hbm>>, %arg3: memref<1024x64xi32, #tpu.memory_space<hbm>>, %arg4: memref<100000x304xf32, #tpu.memory_space<hbm>>, %arg5: memref<64x16xf32, #tpu.memory_space<hbm>>, %arg6: memref<256x304xf32, #tpu.memory_space<hbm>>, %arg7: memref<256x16xf32, #tpu.memory_space<hbm>>, %arg8: memref<2x16x304xf32, #tpu.memory_space<hbm>>, %arg9: memref<32x64xi32, #tpu.memory_space<vmem>>, %arg10: memref<32x64xi32, #tpu.memory_space<vmem>>, %arg11: memref<64x64xi32, #tpu.memory_space<vmem>>, %arg12: memref<64x304xf32, #tpu.memory_space<vmem>>, %arg13: memref<64x16xf32, #tpu.memory_space<vmem>>, %arg14: memref<256x16xf32, #tpu.memory_space<vmem>>, %arg15: memref<304xf32, #tpu.memory_space<vmem>>, %arg16: memref<4096x304xf32, #tpu.memory_space<vmem_shared>>, %arg17: memref<4096x16xf32, #tpu.memory_space<vmem_shared>>, %arg18: memref<!tpu.dma_semaphore, #tpu.memory_space<semaphore_mem>>) attributes {dimension_semantics = [#tpu.dimension_semantics<core_parallel>, #tpu.dimension_semantics<subcore_parallel>], iteration_bounds = array<i64: 2, 16>, scalar_prefetch = 0 : i64, scratch_operands = 10 : i64, tpu.core_type = #tpu.core_type<sc_vector_subcore>, window_params = [{transform_indices = #map}, {transform_indices = #map}, {transform_indices = #map}, {transform_indices = #map}, {transform_indices = #map}, {transform_indices = #map}, {transform_indices = #map1}]} {
    %mul3A = arith.constant 16 : i32
    %mul3A_0 = arith.muli %arg0, %mul3A : i32
    %add3A = arith.addi %mul3A_0, %arg1 : i32
    %mul3A_1 = arith.constant 32 : i32
    %mul3A_2 = arith.muli %add3A, %mul3A_1 : i32
    "tpu.region"() ({
      %run_scoped3A = tpu.sem_alloc : memref<!tpu.dma_semaphore, #tpu.memory_space<semaphore_mem>>
      %dma_start3A = arith.constant 0 : i32
      %dma_start3A_177 = tpu.memref_slice %arg2[%mul3A_2, %dma_start3A] : memref<1024x64xi32, #tpu.memory_space<hbm>> -> memref<32x64xi32, #tpu.memory_space<hbm>>
      %dma_start3A_178 = arith.constant 0 : i32
      %dma_start3A_179 = tpu.memref_slice %arg2[%mul3A_2, %dma_start3A_178] : memref<1024x64xi32, #tpu.memory_space<hbm>> -> memref<32x64xi32, #tpu.memory_space<hbm>>
      tpu.enqueue_dma source(%dma_start3A_179 : memref<32x64xi32, #tpu.memory_space<hbm>>) target(%arg9 : memref<32x64xi32, #tpu.memory_space<vmem>>) target_semaphore(%run_scoped3A : memref<!tpu.dma_semaphore, #tpu.memory_space<semaphore_mem>>)
      %dma_wait3A = arith.constant 0 : i32
      %dma_wait3A_180 = tpu.memref_slice %arg2[%mul3A_2, %dma_wait3A] : memref<1024x64xi32, #tpu.memory_space<hbm>> -> memref<32x64xi32, #tpu.memory_space<hbm>>
      %dma_wait3A_181 = arith.constant 0 : i32
      %dma_wait3A_182 = tpu.memref_slice %arg2[%mul3A_2, %dma_wait3A_181] : memref<1024x64xi32, #tpu.memory_space<hbm>> -> memref<32x64xi32, #tpu.memory_space<hbm>>
      tpu.wait_dma2 semaphore(%run_scoped3A : memref<!tpu.dma_semaphore, #tpu.memory_space<semaphore_mem>>) src(%dma_wait3A_182 : memref<32x64xi32, #tpu.memory_space<hbm>>) dst(%arg9 : memref<32x64xi32, #tpu.memory_space<vmem>>)
      tpu.yield
    }) : () -> ()
    %mul3A_3 = arith.constant 32 : i32
    %mul3A_4 = arith.muli %add3A, %mul3A_3 : i32
    "tpu.region"() ({
      %run_scoped3A = tpu.sem_alloc : memref<!tpu.dma_semaphore, #tpu.memory_space<semaphore_mem>>
      %dma_start3A = arith.constant 0 : i32
      %dma_start3A_177 = tpu.memref_slice %arg3[%mul3A_4, %dma_start3A] : memref<1024x64xi32, #tpu.memory_space<hbm>> -> memref<32x64xi32, #tpu.memory_space<hbm>>
      %dma_start3A_178 = arith.constant 0 : i32
      %dma_start3A_179 = tpu.memref_slice %arg3[%mul3A_4, %dma_start3A_178] : memref<1024x64xi32, #tpu.memory_space<hbm>> -> memref<32x64xi32, #tpu.memory_space<hbm>>
      tpu.enqueue_dma source(%dma_start3A_179 : memref<32x64xi32, #tpu.memory_space<hbm>>) target(%arg10 : memref<32x64xi32, #tpu.memory_space<vmem>>) target_semaphore(%run_scoped3A : memref<!tpu.dma_semaphore, #tpu.memory_space<semaphore_mem>>)
      %dma_wait3A = arith.constant 0 : i32
      %dma_wait3A_180 = tpu.memref_slice %arg3[%mul3A_4, %dma_wait3A] : memref<1024x64xi32, #tpu.memory_space<hbm>> -> memref<32x64xi32, #tpu.memory_space<hbm>>
      %dma_wait3A_181 = arith.constant 0 : i32
      %dma_wait3A_182 = tpu.memref_slice %arg3[%mul3A_4, %dma_wait3A_181] : memref<1024x64xi32, #tpu.memory_space<hbm>> -> memref<32x64xi32, #tpu.memory_space<hbm>>
      tpu.wait_dma2 semaphore(%run_scoped3A : memref<!tpu.dma_semaphore, #tpu.memory_space<semaphore_mem>>) src(%dma_wait3A_182 : memref<32x64xi32, #tpu.memory_space<hbm>>) dst(%arg10 : memref<32x64xi32, #tpu.memory_space<vmem>>)
      tpu.yield
    }) : () -> ()
    %mul3A_5 = arith.constant 64 : i32
    %mul3A_6 = arith.muli %arg1, %mul3A_5 : i32
    "tpu.region"() ({
      %run_scoped3A = tpu.sem_alloc : memref<!tpu.dma_semaphore, #tpu.memory_space<semaphore_mem>>
      %dma_start3A = arith.constant 0 : i32
      %dma_start3A_177 = tpu.memref_slice %arg3[%mul3A_6, %dma_start3A] : memref<1024x64xi32, #tpu.memory_space<hbm>> -> memref<64x64xi32, #tpu.memory_space<hbm>>
      %dma_start3A_178 = arith.constant 0 : i32
      %dma_start3A_179 = tpu.memref_slice %arg3[%mul3A_6, %dma_start3A_178] : memref<1024x64xi32, #tpu.memory_space<hbm>> -> memref<64x64xi32, #tpu.memory_space<hbm>>
      tpu.enqueue_dma source(%dma_start3A_179 : memref<64x64xi32, #tpu.memory_space<hbm>>) target(%arg11 : memref<64x64xi32, #tpu.memory_space<vmem>>) target_semaphore(%run_scoped3A : memref<!tpu.dma_semaphore, #tpu.memory_space<semaphore_mem>>)
      %dma_wait3A = arith.constant 0 : i32
      %dma_wait3A_180 = tpu.memref_slice %arg3[%mul3A_6, %dma_wait3A] : memref<1024x64xi32, #tpu.memory_space<hbm>> -> memref<64x64xi32, #tpu.memory_space<hbm>>
      %dma_wait3A_181 = arith.constant 0 : i32
      %dma_wait3A_182 = tpu.memref_slice %arg3[%mul3A_6, %dma_wait3A_181] : memref<1024x64xi32, #tpu.memory_space<hbm>> -> memref<64x64xi32, #tpu.memory_space<hbm>>
      tpu.wait_dma2 semaphore(%run_scoped3A : memref<!tpu.dma_semaphore, #tpu.memory_space<semaphore_mem>>) src(%dma_wait3A_182 : memref<64x64xi32, #tpu.memory_space<hbm>>) dst(%arg11 : memref<64x64xi32, #tpu.memory_space<vmem>>)
      tpu.yield
    }) : () -> ()
    "tpu.region"() ({
      %run_scoped3A = tpu.sem_alloc : memref<!tpu.dma_semaphore, #tpu.memory_space<semaphore_mem>>
      tpu.enqueue_dma source(%arg5 : memref<64x16xf32, #tpu.memory_space<hbm>>) target(%arg13 : memref<64x16xf32, #tpu.memory_space<vmem>>) target_semaphore(%run_scoped3A : memref<!tpu.dma_semaphore, #tpu.memory_space<semaphore_mem>>)
      tpu.wait_dma2 semaphore(%run_scoped3A : memref<!tpu.dma_semaphore, #tpu.memory_space<semaphore_mem>>) src(%arg5 : memref<64x16xf32, #tpu.memory_space<hbm>>) dst(%arg13 : memref<64x16xf32, #tpu.memory_space<vmem>>)
      tpu.yield
    }) : () -> ()
    %mul3A_7 = arith.constant 256 : i32
    %mul3A_8 = arith.muli %arg1, %mul3A_7 : i32
    "tpu.region"() ({
      %run_scoped3A = tpu.sem_alloc : memref<!tpu.dma_semaphore, #tpu.memory_space<semaphore_mem>>
      %dma_start3A = arith.constant 0 : i32
      %dma_start3A_177 = tpu.memref_slice %arg16[%mul3A_8, %dma_start3A] : memref<4096x304xf32, #tpu.memory_space<vmem_shared>> -> memref<256x304xf32, #tpu.memory_space<vmem_shared>>
      tpu.enqueue_dma source(%arg6 : memref<256x304xf32, #tpu.memory_space<hbm>>) target(%dma_start3A_177 : memref<256x304xf32, #tpu.memory_space<vmem_shared>>) target_semaphore(%run_scoped3A : memref<!tpu.dma_semaphore, #tpu.memory_space<semaphore_mem>>)
      %dma_wait3A = arith.constant 0 : i32
      %dma_wait3A_178 = tpu.memref_slice %arg16[%mul3A_8, %dma_wait3A] : memref<4096x304xf32, #tpu.memory_space<vmem_shared>> -> memref<256x304xf32, #tpu.memory_space<vmem_shared>>
      tpu.wait_dma2 semaphore(%run_scoped3A : memref<!tpu.dma_semaphore, #tpu.memory_space<semaphore_mem>>) src(%arg6 : memref<256x304xf32, #tpu.memory_space<hbm>>) dst(%dma_wait3A_178 : memref<256x304xf32, #tpu.memory_space<vmem_shared>>)
      tpu.yield
    }) : () -> ()
    %mul3A_9 = arith.constant 256 : i32
    %mul3A_10 = arith.muli %arg1, %mul3A_9 : i32
    "tpu.region"() ({
      %run_scoped3A = tpu.sem_alloc : memref<!tpu.dma_semaphore, #tpu.memory_space<semaphore_mem>>
      %dma_start3A = arith.constant 0 : i32
      %dma_start3A_177 = tpu.memref_slice %arg17[%mul3A_10, %dma_start3A] : memref<4096x16xf32, #tpu.memory_space<vmem_shared>> -> memref<256x16xf32, #tpu.memory_space<vmem_shared>>
      tpu.enqueue_dma source(%arg7 : memref<256x16xf32, #tpu.memory_space<hbm>>) target(%dma_start3A_177 : memref<256x16xf32, #tpu.memory_space<vmem_shared>>) target_semaphore(%run_scoped3A : memref<!tpu.dma_semaphore, #tpu.memory_space<semaphore_mem>>)
      %dma_wait3A = arith.constant 0 : i32
      %dma_wait3A_178 = tpu.memref_slice %arg17[%mul3A_10, %dma_wait3A] : memref<4096x16xf32, #tpu.memory_space<vmem_shared>> -> memref<256x16xf32, #tpu.memory_space<vmem_shared>>
      tpu.wait_dma2 semaphore(%run_scoped3A : memref<!tpu.dma_semaphore, #tpu.memory_space<semaphore_mem>>) src(%arg7 : memref<256x16xf32, #tpu.memory_space<hbm>>) dst(%dma_wait3A_178 : memref<256x16xf32, #tpu.memory_space<vmem_shared>>)
      tpu.yield
    }) : () -> ()
    %barrier3A = arith.constant 0 : index
    tpu.barrier barrier_id(%barrier3A)
    %scan3A = arith.constant 0 : i32
    %scan3A_11 = arith.constant 0 : i32
    %scan3A_12 = arith.constant 64 : i32
    %scan3A_13 = arith.addi %scan3A_11, %scan3A_12 : i32
    %scan3A_14 = arith.constant 1 : i32
    scf.for %scan3A_177 = %scan3A_11 to %scan3A_13 step %scan3A_14  : i32 {
      "tpu.region"() ({
        %run_scoped3A = tpu.sem_alloc : memref<!tpu.dma_semaphore, #tpu.memory_space<semaphore_mem>>
        %dma_start3A = arith.constant 0 : i32
        %dma_start3A_178 = tpu.memref_slice %arg11[%scan3A_177, %dma_start3A] : memref<64x64xi32, #tpu.memory_space<vmem>> -> memref<1x64xi32, #tpu.memory_space<vmem>>
        %dma_start3A_179 = tpu.memref_squeeze %dma_start3A_178 : memref<1x64xi32, #tpu.memory_space<vmem>> -> memref<64xi32, #tpu.memory_space<vmem>>
        %dma_start3A_180 = arith.constant 0 : i32
        %dma_start3A_181 = arith.constant 0 : i32
        %dma_start3A_182 = tpu.memref_slice %arg17[%dma_start3A_180, %dma_start3A_181] : memref<4096x16xf32, #tpu.memory_space<vmem_shared>> -> memref<4096x16xf32, #tpu.memory_space<vmem_shared>>
        tpu.enqueue_indirect_dma source(%arg13 : memref<64x16xf32, #tpu.memory_space<vmem>>) target(%dma_start3A_182 : memref<4096x16xf32, #tpu.memory_space<vmem_shared>>) offsets(%dma_start3A_179 : memref<64xi32, #tpu.memory_space<vmem>>) semaphore(%run_scoped3A : memref<!tpu.dma_semaphore, #tpu.memory_space<semaphore_mem>>) {add = true}
        %dma_wait3A = arith.constant 0 : i32
        %dma_wait3A_183 = tpu.memref_slice %arg11[%scan3A_177, %dma_wait3A] : memref<64x64xi32, #tpu.memory_space<vmem>> -> memref<1x64xi32, #tpu.memory_space<vmem>>
        %dma_wait3A_184 = tpu.memref_squeeze %dma_wait3A_183 : memref<1x64xi32, #tpu.memory_space<vmem>> -> memref<64xi32, #tpu.memory_space<vmem>>
        %dma_wait3A_185 = arith.constant 0 : i32
        %dma_wait3A_186 = arith.constant 0 : i32
        %dma_wait3A_187 = tpu.memref_slice %arg17[%dma_wait3A_185, %dma_wait3A_186] : memref<4096x16xf32, #tpu.memory_space<vmem_shared>> -> memref<4096x16xf32, #tpu.memory_space<vmem_shared>>
        tpu.wait_indirect_dma semaphore(%run_scoped3A : memref<!tpu.dma_semaphore, #tpu.memory_space<semaphore_mem>>) src(%arg13 : memref<64x16xf32, #tpu.memory_space<vmem>>) dst(%dma_wait3A_187 : memref<4096x16xf32, #tpu.memory_space<vmem_shared>>)
        tpu.yield
      }) : () -> ()
    }
    %scan3A_15 = arith.constant 64 : i32
    %scan3A_16 = arith.constant 0 : i32
    %scan3A_17 = arith.constant 0 : i32
    %scan3A_18 = arith.constant 32 : i32
    %scan3A_19 = arith.addi %scan3A_17, %scan3A_18 : i32
    %scan3A_20 = arith.constant 1 : i32
    scf.for %scan3A_177 = %scan3A_17 to %scan3A_19 step %scan3A_20  : i32 {
      %dma_start3A = arith.constant 0 : i32
      %dma_start3A_178 = tpu.memref_slice %arg9[%scan3A_177, %dma_start3A] : memref<32x64xi32, #tpu.memory_space<vmem>> -> memref<1x64xi32, #tpu.memory_space<vmem>>
      %dma_start3A_179 = tpu.memref_squeeze %dma_start3A_178 : memref<1x64xi32, #tpu.memory_space<vmem>> -> memref<64xi32, #tpu.memory_space<vmem>>
      %dma_start3A_180 = arith.constant 0 : i32
      %dma_start3A_181 = arith.constant 0 : i32
      %dma_start3A_182 = tpu.memref_slice %arg4[%dma_start3A_180, %dma_start3A_181] : memref<100000x304xf32, #tpu.memory_space<hbm>> -> memref<100000x304xf32, #tpu.memory_space<hbm>>
      tpu.enqueue_indirect_dma source(%dma_start3A_182 : memref<100000x304xf32, #tpu.memory_space<hbm>>) target(%arg12 : memref<64x304xf32, #tpu.memory_space<vmem>>) offsets(%dma_start3A_179 : memref<64xi32, #tpu.memory_space<vmem>>) semaphore(%arg18 : memref<!tpu.dma_semaphore, #tpu.memory_space<semaphore_mem>>)
      %dma_wait3A = arith.constant 0 : i32
      %dma_wait3A_183 = tpu.memref_slice %arg9[%scan3A_177, %dma_wait3A] : memref<32x64xi32, #tpu.memory_space<vmem>> -> memref<1x64xi32, #tpu.memory_space<vmem>>
      %dma_wait3A_184 = tpu.memref_squeeze %dma_wait3A_183 : memref<1x64xi32, #tpu.memory_space<vmem>> -> memref<64xi32, #tpu.memory_space<vmem>>
      %dma_wait3A_185 = arith.constant 0 : i32
      %dma_wait3A_186 = arith.constant 0 : i32
      %dma_wait3A_187 = tpu.memref_slice %arg4[%dma_wait3A_185, %dma_wait3A_186] : memref<100000x304xf32, #tpu.memory_space<hbm>> -> memref<100000x304xf32, #tpu.memory_space<hbm>>
      tpu.wait_indirect_dma semaphore(%arg18 : memref<!tpu.dma_semaphore, #tpu.memory_space<semaphore_mem>>) src(%dma_wait3A_187 : memref<100000x304xf32, #tpu.memory_space<hbm>>) dst(%arg12 : memref<64x304xf32, #tpu.memory_space<vmem>>)
      "tpu.region"() ({
        %run_scoped3A = tpu.sem_alloc : memref<!tpu.dma_semaphore, #tpu.memory_space<semaphore_mem>>
        %dma_start3A_188 = arith.constant 0 : i32
        %dma_start3A_189 = tpu.memref_slice %arg10[%scan3A_177, %dma_start3A_188] : memref<32x64xi32, #tpu.memory_space<vmem>> -> memref<1x64xi32, #tpu.memory_space<vmem>>
        %dma_start3A_190 = tpu.memref_squeeze %dma_start3A_189 : memref<1x64xi32, #tpu.memory_space<vmem>> -> memref<64xi32, #tpu.memory_space<vmem>>
        %dma_start3A_191 = arith.constant 0 : i32
        %dma_start3A_192 = arith.constant 0 : i32
        %dma_start3A_193 = tpu.memref_slice %arg16[%dma_start3A_191, %dma_start3A_192] : memref<4096x304xf32, #tpu.memory_space<vmem_shared>> -> memref<4096x304xf32, #tpu.memory_space<vmem_shared>>
        tpu.enqueue_indirect_dma source(%arg12 : memref<64x304xf32, #tpu.memory_space<vmem>>) target(%dma_start3A_193 : memref<4096x304xf32, #tpu.memory_space<vmem_shared>>) offsets(%dma_start3A_190 : memref<64xi32, #tpu.memory_space<vmem>>) semaphore(%run_scoped3A : memref<!tpu.dma_semaphore, #tpu.memory_space<semaphore_mem>>) {add = true}
        %dma_wait3A_194 = arith.constant 0 : i32
        %dma_wait3A_195 = tpu.memref_slice %arg10[%scan3A_177, %dma_wait3A_194] : memref<32x64xi32, #tpu.memory_space<vmem>> -> memref<1x64xi32, #tpu.memory_space<vmem>>
        %dma_wait3A_196 = tpu.memref_squeeze %dma_wait3A_195 : memref<1x64xi32, #tpu.memory_space<vmem>> -> memref<64xi32, #tpu.memory_space<vmem>>
        %dma_wait3A_197 = arith.constant 0 : i32
        %dma_wait3A_198 = arith.constant 0 : i32
        %dma_wait3A_199 = tpu.memref_slice %arg16[%dma_wait3A_197, %dma_wait3A_198] : memref<4096x304xf32, #tpu.memory_space<vmem_shared>> -> memref<4096x304xf32, #tpu.memory_space<vmem_shared>>
        tpu.wait_indirect_dma semaphore(%run_scoped3A : memref<!tpu.dma_semaphore, #tpu.memory_space<semaphore_mem>>) src(%arg12 : memref<64x304xf32, #tpu.memory_space<vmem>>) dst(%dma_wait3A_199 : memref<4096x304xf32, #tpu.memory_space<vmem_shared>>)
        tpu.yield
      }) : () -> ()
    }
    %scan3A_21 = arith.constant 32 : i32
    %barrier3A_22 = arith.constant 0 : index
    tpu.barrier barrier_id(%barrier3A_22)
    %mul3A_23 = arith.constant 256 : i32
    %mul3A_24 = arith.muli %arg1, %mul3A_23 : i32
    "tpu.region"() ({
      %run_scoped3A = tpu.sem_alloc : memref<!tpu.dma_semaphore, #tpu.memory_space<semaphore_mem>>
      %dma_start3A = arith.constant 0 : i32
      %dma_start3A_177 = tpu.memref_slice %arg17[%mul3A_24, %dma_start3A] : memref<4096x16xf32, #tpu.memory_space<vmem_shared>> -> memref<256x16xf32, #tpu.memory_space<vmem_shared>>
      %dma_start3A_178 = arith.constant 0 : i32
      %dma_start3A_179 = tpu.memref_slice %arg17[%mul3A_24, %dma_start3A_178] : memref<4096x16xf32, #tpu.memory_space<vmem_shared>> -> memref<256x16xf32, #tpu.memory_space<vmem_shared>>
      tpu.enqueue_dma source(%dma_start3A_179 : memref<256x16xf32, #tpu.memory_space<vmem_shared>>) target(%arg14 : memref<256x16xf32, #tpu.memory_space<vmem>>) target_semaphore(%run_scoped3A : memref<!tpu.dma_semaphore, #tpu.memory_space<semaphore_mem>>)
      %dma_wait3A = arith.constant 0 : i32
      %dma_wait3A_180 = tpu.memref_slice %arg17[%mul3A_24, %dma_wait3A] : memref<4096x16xf32, #tpu.memory_space<vmem_shared>> -> memref<256x16xf32, #tpu.memory_space<vmem_shared>>
      %dma_wait3A_181 = arith.constant 0 : i32
      %dma_wait3A_182 = tpu.memref_slice %arg17[%mul3A_24, %dma_wait3A_181] : memref<4096x16xf32, #tpu.memory_space<vmem_shared>> -> memref<256x16xf32, #tpu.memory_space<vmem_shared>>
      tpu.wait_dma2 semaphore(%run_scoped3A : memref<!tpu.dma_semaphore, #tpu.memory_space<semaphore_mem>>) src(%dma_wait3A_182 : memref<256x16xf32, #tpu.memory_space<vmem_shared>>) dst(%arg14 : memref<256x16xf32, #tpu.memory_space<vmem>>)
      tpu.yield
    }) : () -> ()
    %broadcast_in_dim3A = arith.constant 0.000000e+00 : f32
    %broadcast_in_dim3A_25 = vector.broadcast %broadcast_in_dim3A : f32 to vector<16xf32>
    %broadcast_in_dim3A_26 = arith.constant 0.000000e+00 : f32
    %broadcast_in_dim3A_27 = vector.broadcast %broadcast_in_dim3A_26 : f32 to vector<16xf32>
    %broadcast_in_dim3A_28 = arith.constant 0.000000e+00 : f32
    %broadcast_in_dim3A_29 = vector.broadcast %broadcast_in_dim3A_28 : f32 to vector<16xf32>
    %broadcast_in_dim3A_30 = arith.constant 0.000000e+00 : f32
    %broadcast_in_dim3A_31 = vector.broadcast %broadcast_in_dim3A_30 : f32 to vector<16xf32>
    %broadcast_in_dim3A_32 = arith.constant 0.000000e+00 : f32
    %broadcast_in_dim3A_33 = vector.broadcast %broadcast_in_dim3A_32 : f32 to vector<16xf32>
    %broadcast_in_dim3A_34 = arith.constant 0.000000e+00 : f32
    %broadcast_in_dim3A_35 = vector.broadcast %broadcast_in_dim3A_34 : f32 to vector<16xf32>
    %broadcast_in_dim3A_36 = arith.constant 0.000000e+00 : f32
    %broadcast_in_dim3A_37 = vector.broadcast %broadcast_in_dim3A_36 : f32 to vector<16xf32>
    %broadcast_in_dim3A_38 = arith.constant 0.000000e+00 : f32
    %broadcast_in_dim3A_39 = vector.broadcast %broadcast_in_dim3A_38 : f32 to vector<16xf32>
    %broadcast_in_dim3A_40 = arith.constant 0.000000e+00 : f32
    %broadcast_in_dim3A_41 = vector.broadcast %broadcast_in_dim3A_40 : f32 to vector<16xf32>
    %broadcast_in_dim3A_42 = arith.constant 0.000000e+00 : f32
    %broadcast_in_dim3A_43 = vector.broadcast %broadcast_in_dim3A_42 : f32 to vector<16xf32>
    %broadcast_in_dim3A_44 = arith.constant 0.000000e+00 : f32
    %broadcast_in_dim3A_45 = vector.broadcast %broadcast_in_dim3A_44 : f32 to vector<16xf32>
    %broadcast_in_dim3A_46 = arith.constant 0.000000e+00 : f32
    %broadcast_in_dim3A_47 = vector.broadcast %broadcast_in_dim3A_46 : f32 to vector<16xf32>
    %broadcast_in_dim3A_48 = arith.constant 0.000000e+00 : f32
    %broadcast_in_dim3A_49 = vector.broadcast %broadcast_in_dim3A_48 : f32 to vector<16xf32>
    %broadcast_in_dim3A_50 = arith.constant 0.000000e+00 : f32
    %broadcast_in_dim3A_51 = vector.broadcast %broadcast_in_dim3A_50 : f32 to vector<16xf32>
    %broadcast_in_dim3A_52 = arith.constant 0.000000e+00 : f32
    %broadcast_in_dim3A_53 = vector.broadcast %broadcast_in_dim3A_52 : f32 to vector<16xf32>
    %broadcast_in_dim3A_54 = arith.constant 0.000000e+00 : f32
    %broadcast_in_dim3A_55 = vector.broadcast %broadcast_in_dim3A_54 : f32 to vector<16xf32>
    %broadcast_in_dim3A_56 = arith.constant 0.000000e+00 : f32
    %broadcast_in_dim3A_57 = vector.broadcast %broadcast_in_dim3A_56 : f32 to vector<16xf32>
    %broadcast_in_dim3A_58 = arith.constant 0.000000e+00 : f32
    %broadcast_in_dim3A_59 = vector.broadcast %broadcast_in_dim3A_58 : f32 to vector<16xf32>
    %broadcast_in_dim3A_60 = arith.constant 0.000000e+00 : f32
    %broadcast_in_dim3A_61 = vector.broadcast %broadcast_in_dim3A_60 : f32 to vector<16xf32>
    %mul3A_62 = arith.constant 256 : i32
    %mul3A_63 = arith.muli %arg1, %mul3A_62 : i32
    %add3A_64 = arith.constant 0 : i32
    %add3A_65 = arith.addi %mul3A_63, %add3A_64 : i32
    "tpu.region"() ({
      %run_scoped3A = tpu.sem_alloc : memref<!tpu.dma_semaphore, #tpu.memory_space<semaphore_mem>>
      %dma_start3A = arith.constant 0 : i32
      %dma_start3A_177 = tpu.memref_slice %arg16[%add3A_65, %dma_start3A] : memref<4096x304xf32, #tpu.memory_space<vmem_shared>> -> memref<64x304xf32, #tpu.memory_space<vmem_shared>>
      %dma_start3A_178 = arith.constant 0 : i32
      %dma_start3A_179 = tpu.memref_slice %arg16[%add3A_65, %dma_start3A_178] : memref<4096x304xf32, #tpu.memory_space<vmem_shared>> -> memref<64x304xf32, #tpu.memory_space<vmem_shared>>
      tpu.enqueue_dma source(%dma_start3A_179 : memref<64x304xf32, #tpu.memory_space<vmem_shared>>) target(%arg12 : memref<64x304xf32, #tpu.memory_space<vmem>>) target_semaphore(%run_scoped3A : memref<!tpu.dma_semaphore, #tpu.memory_space<semaphore_mem>>)
      %dma_wait3A = arith.constant 0 : i32
      %dma_wait3A_180 = tpu.memref_slice %arg16[%add3A_65, %dma_wait3A] : memref<4096x304xf32, #tpu.memory_space<vmem_shared>> -> memref<64x304xf32, #tpu.memory_space<vmem_shared>>
      %dma_wait3A_181 = arith.constant 0 : i32
      %dma_wait3A_182 = tpu.memref_slice %arg16[%add3A_65, %dma_wait3A_181] : memref<4096x304xf32, #tpu.memory_space<vmem_shared>> -> memref<64x304xf32, #tpu.memory_space<vmem_shared>>
      tpu.wait_dma2 semaphore(%run_scoped3A : memref<!tpu.dma_semaphore, #tpu.memory_space<semaphore_mem>>) src(%dma_wait3A_182 : memref<64x304xf32, #tpu.memory_space<vmem_shared>>) dst(%arg12 : memref<64x304xf32, #tpu.memory_space<vmem>>)
      tpu.yield
    }) : () -> ()
    %scan3A_66 = arith.constant 0 : i32
    %scan3A_67 = arith.constant 64 : i32
    %scan3A_68 = arith.addi %scan3A_66, %scan3A_67 : i32
    %scan3A_69 = arith.constant 1 : i32
    %scan3A_70:19 = scf.for %scan3A_177 = %scan3A_66 to %scan3A_68 step %scan3A_69 iter_args(%scan3A_178 = %broadcast_in_dim3A_25, %scan3A_179 = %broadcast_in_dim3A_27, %scan3A_180 = %broadcast_in_dim3A_29, %scan3A_181 = %broadcast_in_dim3A_31, %scan3A_182 = %broadcast_in_dim3A_33, %scan3A_183 = %broadcast_in_dim3A_35, %scan3A_184 = %broadcast_in_dim3A_37, %scan3A_185 = %broadcast_in_dim3A_39, %scan3A_186 = %broadcast_in_dim3A_41, %scan3A_187 = %broadcast_in_dim3A_43, %scan3A_188 = %broadcast_in_dim3A_45, %scan3A_189 = %broadcast_in_dim3A_47, %scan3A_190 = %broadcast_in_dim3A_49, %scan3A_191 = %broadcast_in_dim3A_51, %scan3A_192 = %broadcast_in_dim3A_53, %scan3A_193 = %broadcast_in_dim3A_55, %scan3A_194 = %broadcast_in_dim3A_57, %scan3A_195 = %broadcast_in_dim3A_59, %scan3A_196 = %broadcast_in_dim3A_61) -> (vector<16xf32>, vector<16xf32>, vector<16xf32>, vector<16xf32>, vector<16xf32>, vector<16xf32>, vector<16xf32>, vector<16xf32>, vector<16xf32>, vector<16xf32>, vector<16xf32>, vector<16xf32>, vector<16xf32>, vector<16xf32>, vector<16xf32>, vector<16xf32>, vector<16xf32>, vector<16xf32>, vector<16xf32>)  : i32 {
      %add3A_197 = arith.constant 0 : i32
      %add3A_198 = arith.addi %add3A_197, %scan3A_177 : i32
      %get3A = arith.index_cast %add3A_198 : i32 to index
      %get3A_199 = arith.constant 0 : index
      %get3A_200 = tpu.vector_load %arg14[%get3A, %get3A_199] {strides = array<i32>} : memref<256x16xf32, #tpu.memory_space<vmem>>, vector<1x16xf32>,
      %get3A_201 = vector.shape_cast %get3A_200 : vector<1x16xf32> to vector<16xf32>
      %max3A = arith.constant 1.000000e+00 : f32
      %max3A_202 = vector.broadcast %max3A : f32 to vector<16xf32>
      %max3A_203 = arith.maximumf %get3A_201, %max3A_202 : vector<16xf32>
      %mul3A_204 = arith.constant 2.560000e+02 : f32
      %mul3A_205 = vector.broadcast %mul3A_204 : f32 to vector<16xf32>
      %mul3A_206 = arith.mulf %mul3A_205, %max3A_203 : vector<16xf32>
      %div3A = arith.constant 1.000000e+00 : f32
      %div3A_207 = vector.broadcast %div3A : f32 to vector<16xf32>
      %div3A_208 = arith.divf %div3A_207, %mul3A_206 : vector<16xf32>
      %get3A_209 = arith.index_cast %scan3A_177 : i32 to index
      %get3A_210 = arith.constant 0 : index
      %get3A_211 = tpu.vector_load %arg12[%get3A_209, %get3A_210] {strides = array<i32>} : memref<64x304xf32, #tpu.memory_space<vmem>>, vector<1x16xf32>,
      %get3A_212 = vector.shape_cast %get3A_211 : vector<1x16xf32> to vector<16xf32>
      %mul3A_213 = arith.mulf %div3A_208, %get3A_212 : vector<16xf32>
      %add3A_214 = arith.addf %scan3A_178, %mul3A_213 : vector<16xf32>
      %get3A_215 = arith.index_cast %scan3A_177 : i32 to index
      %get3A_216 = arith.constant 16 : index
      %get3A_217 = tpu.vector_load %arg12[%get3A_215, %get3A_216] {strides = array<i32>} : memref<64x304xf32, #tpu.memory_space<vmem>>, vector<1x16xf32>,
      %get3A_218 = vector.shape_cast %get3A_217 : vector<1x16xf32> to vector<16xf32>
      %mul3A_219 = arith.mulf %div3A_208, %get3A_218 : vector<16xf32>
      %add3A_220 = arith.addf %scan3A_179, %mul3A_219 : vector<16xf32>
      %get3A_221 = arith.index_cast %scan3A_177 : i32 to index
      %get3A_222 = arith.constant 32 : index
      %get3A_223 = tpu.vector_load %arg12[%get3A_221, %get3A_222] {strides = array<i32>} : memref<64x304xf32, #tpu.memory_space<vmem>>, vector<1x16xf32>,
      %get3A_224 = vector.shape_cast %get3A_223 : vector<1x16xf32> to vector<16xf32>
      %mul3A_225 = arith.mulf %div3A_208, %get3A_224 : vector<16xf32>
      %add3A_226 = arith.addf %scan3A_180, %mul3A_225 : vector<16xf32>
      %get3A_227 = arith.index_cast %scan3A_177 : i32 to index
      %get3A_228 = arith.constant 48 : index
      %get3A_229 = tpu.vector_load %arg12[%get3A_227, %get3A_228] {strides = array<i32>} : memref<64x304xf32, #tpu.memory_space<vmem>>, vector<1x16xf32>,
      %get3A_230 = vector.shape_cast %get3A_229 : vector<1x16xf32> to vector<16xf32>
      %mul3A_231 = arith.mulf %div3A_208, %get3A_230 : vector<16xf32>
      %add3A_232 = arith.addf %scan3A_181, %mul3A_231 : vector<16xf32>
      %get3A_233 = arith.index_cast %scan3A_177 : i32 to index
      %get3A_234 = arith.constant 64 : index
      %get3A_235 = tpu.vector_load %arg12[%get3A_233, %get3A_234] {strides = array<i32>} : memref<64x304xf32, #tpu.memory_space<vmem>>, vector<1x16xf32>,
      %get3A_236 = vector.shape_cast %get3A_235 : vector<1x16xf32> to vector<16xf32>
      %mul3A_237 = arith.mulf %div3A_208, %get3A_236 : vector<16xf32>
      %add3A_238 = arith.addf %scan3A_182, %mul3A_237 : vector<16xf32>
      %get3A_239 = arith.index_cast %scan3A_177 : i32 to index
      %get3A_240 = arith.constant 80 : index
      %get3A_241 = tpu.vector_load %arg12[%get3A_239, %get3A_240] {strides = array<i32>} : memref<64x304xf32, #tpu.memory_space<vmem>>, vector<1x16xf32>,
      %get3A_242 = vector.shape_cast %get3A_241 : vector<1x16xf32> to vector<16xf32>
      %mul3A_243 = arith.mulf %div3A_208, %get3A_242 : vector<16xf32>
      %add3A_244 = arith.addf %scan3A_183, %mul3A_243 : vector<16xf32>
      %get3A_245 = arith.index_cast %scan3A_177 : i32 to index
      %get3A_246 = arith.constant 96 : index
      %get3A_247 = tpu.vector_load %arg12[%get3A_245, %get3A_246] {strides = array<i32>} : memref<64x304xf32, #tpu.memory_space<vmem>>, vector<1x16xf32>,
      %get3A_248 = vector.shape_cast %get3A_247 : vector<1x16xf32> to vector<16xf32>
      %mul3A_249 = arith.mulf %div3A_208, %get3A_248 : vector<16xf32>
      %add3A_250 = arith.addf %scan3A_184, %mul3A_249 : vector<16xf32>
      %get3A_251 = arith.index_cast %scan3A_177 : i32 to index
      %get3A_252 = arith.constant 112 : index
      %get3A_253 = tpu.vector_load %arg12[%get3A_251, %get3A_252] {strides = array<i32>} : memref<64x304xf32, #tpu.memory_space<vmem>>, vector<1x16xf32>,
      %get3A_254 = vector.shape_cast %get3A_253 : vector<1x16xf32> to vector<16xf32>
      %mul3A_255 = arith.mulf %div3A_208, %get3A_254 : vector<16xf32>
      %add3A_256 = arith.addf %scan3A_185, %mul3A_255 : vector<16xf32>
      %get3A_257 = arith.index_cast %scan3A_177 : i32 to index
      %get3A_258 = arith.constant 128 : index
      %get3A_259 = tpu.vector_load %arg12[%get3A_257, %get3A_258] {strides = array<i32>} : memref<64x304xf32, #tpu.memory_space<vmem>>, vector<1x16xf32>,
      %get3A_260 = vector.shape_cast %get3A_259 : vector<1x16xf32> to vector<16xf32>
      %mul3A_261 = arith.mulf %div3A_208, %get3A_260 : vector<16xf32>
      %add3A_262 = arith.addf %scan3A_186, %mul3A_261 : vector<16xf32>
      %get3A_263 = arith.index_cast %scan3A_177 : i32 to index
      %get3A_264 = arith.constant 144 : index
      %get3A_265 = tpu.vector_load %arg12[%get3A_263, %get3A_264] {strides = array<i32>} : memref<64x304xf32, #tpu.memory_space<vmem>>, vector<1x16xf32>,
      %get3A_266 = vector.shape_cast %get3A_265 : vector<1x16xf32> to vector<16xf32>
      %mul3A_267 = arith.mulf %div3A_208, %get3A_266 : vector<16xf32>
      %add3A_268 = arith.addf %scan3A_187, %mul3A_267 : vector<16xf32>
      %get3A_269 = arith.index_cast %scan3A_177 : i32 to index
      %get3A_270 = arith.constant 160 : index
      %get3A_271 = tpu.vector_load %arg12[%get3A_269, %get3A_270] {strides = array<i32>} : memref<64x304xf32, #tpu.memory_space<vmem>>, vector<1x16xf32>,
      %get3A_272 = vector.shape_cast %get3A_271 : vector<1x16xf32> to vector<16xf32>
      %mul3A_273 = arith.mulf %div3A_208, %get3A_272 : vector<16xf32>
      %add3A_274 = arith.addf %scan3A_188, %mul3A_273 : vector<16xf32>
      %get3A_275 = arith.index_cast %scan3A_177 : i32 to index
      %get3A_276 = arith.constant 176 : index
      %get3A_277 = tpu.vector_load %arg12[%get3A_275, %get3A_276] {strides = array<i32>} : memref<64x304xf32, #tpu.memory_space<vmem>>, vector<1x16xf32>,
      %get3A_278 = vector.shape_cast %get3A_277 : vector<1x16xf32> to vector<16xf32>
      %mul3A_279 = arith.mulf %div3A_208, %get3A_278 : vector<16xf32>
      %add3A_280 = arith.addf %scan3A_189, %mul3A_279 : vector<16xf32>
      %get3A_281 = arith.index_cast %scan3A_177 : i32 to index
      %get3A_282 = arith.constant 192 : index
      %get3A_283 = tpu.vector_load %arg12[%get3A_281, %get3A_282] {strides = array<i32>} : memref<64x304xf32, #tpu.memory_space<vmem>>, vector<1x16xf32>,
      %get3A_284 = vector.shape_cast %get3A_283 : vector<1x16xf32> to vector<16xf32>
      %mul3A_285 = arith.mulf %div3A_208, %get3A_284 : vector<16xf32>
      %add3A_286 = arith.addf %scan3A_190, %mul3A_285 : vector<16xf32>
      %get3A_287 = arith.index_cast %scan3A_177 : i32 to index
      %get3A_288 = arith.constant 208 : index
      %get3A_289 = tpu.vector_load %arg12[%get3A_287, %get3A_288] {strides = array<i32>} : memref<64x304xf32, #tpu.memory_space<vmem>>, vector<1x16xf32>,
      %get3A_290 = vector.shape_cast %get3A_289 : vector<1x16xf32> to vector<16xf32>
      %mul3A_291 = arith.mulf %div3A_208, %get3A_290 : vector<16xf32>
      %add3A_292 = arith.addf %scan3A_191, %mul3A_291 : vector<16xf32>
      %get3A_293 = arith.index_cast %scan3A_177 : i32 to index
      %get3A_294 = arith.constant 224 : index
      %get3A_295 = tpu.vector_load %arg12[%get3A_293, %get3A_294] {strides = array<i32>} : memref<64x304xf32, #tpu.memory_space<vmem>>, vector<1x16xf32>,
      %get3A_296 = vector.shape_cast %get3A_295 : vector<1x16xf32> to vector<16xf32>
      %mul3A_297 = arith.mulf %div3A_208, %get3A_296 : vector<16xf32>
      %add3A_298 = arith.addf %scan3A_192, %mul3A_297 : vector<16xf32>
      %get3A_299 = arith.index_cast %scan3A_177 : i32 to index
      %get3A_300 = arith.constant 240 : index
      %get3A_301 = tpu.vector_load %arg12[%get3A_299, %get3A_300] {strides = array<i32>} : memref<64x304xf32, #tpu.memory_space<vmem>>, vector<1x16xf32>,
      %get3A_302 = vector.shape_cast %get3A_301 : vector<1x16xf32> to vector<16xf32>
      %mul3A_303 = arith.mulf %div3A_208, %get3A_302 : vector<16xf32>
      %add3A_304 = arith.addf %scan3A_193, %mul3A_303 : vector<16xf32>
      %get3A_305 = arith.index_cast %scan3A_177 : i32 to index
      %get3A_306 = arith.constant 256 : index
      %get3A_307 = tpu.vector_load %arg12[%get3A_305, %get3A_306] {strides = array<i32>} : memref<64x304xf32, #tpu.memory_space<vmem>>, vector<1x16xf32>,
      %get3A_308 = vector.shape_cast %get3A_307 : vector<1x16xf32> to vector<16xf32>
      %mul3A_309 = arith.mulf %div3A_208, %get3A_308 : vector<16xf32>
      %add3A_310 = arith.addf %scan3A_194, %mul3A_309 : vector<16xf32>
      %get3A_311 = arith.index_cast %scan3A_177 : i32 to index
      %get3A_312 = arith.constant 272 : index
      %get3A_313 = tpu.vector_load %arg12[%get3A_311, %get3A_312] {strides = array<i32>} : memref<64x304xf32, #tpu.memory_space<vmem>>, vector<1x16xf32>,
      %get3A_314 = vector.shape_cast %get3A_313 : vector<1x16xf32> to vector<16xf32>
      %mul3A_315 = arith.mulf %div3A_208, %get3A_314 : vector<16xf32>
      %add3A_316 = arith.addf %scan3A_195, %mul3A_315 : vector<16xf32>
      %get3A_317 = arith.index_cast %scan3A_177 : i32 to index
      %get3A_318 = arith.constant 288 : index
      %get3A_319 = tpu.vector_load %arg12[%get3A_317, %get3A_318] {strides = array<i32>} : memref<64x304xf32, #tpu.memory_space<vmem>>, vector<1x16xf32>,
      %get3A_320 = vector.shape_cast %get3A_319 : vector<1x16xf32> to vector<16xf32>
      %mul3A_321 = arith.mulf %div3A_208, %get3A_320 : vector<16xf32>
      %add3A_322 = arith.addf %scan3A_196, %mul3A_321 : vector<16xf32>
      scf.yield %add3A_214, %add3A_220, %add3A_226, %add3A_232, %add3A_238, %add3A_244, %add3A_250, %add3A_256, %add3A_262, %add3A_268, %add3A_274, %add3A_280, %add3A_286, %add3A_292, %add3A_298, %add3A_304, %add3A_310, %add3A_316, %add3A_322 : vector<16xf32>, vector<16xf32>, vector<16xf32>, vector<16xf32>, vector<16xf32>, vector<16xf32>, vector<16xf32>, vector<16xf32>, vector<16xf32>, vector<16xf32>, vector<16xf32>, vector<16xf32>, vector<16xf32>, vector<16xf32>, vector<16xf32>, vector<16xf32>, vector<16xf32>, vector<16xf32>, vector<16xf32>
    }
    %scan3A_71 = arith.constant 64 : i32
    %mul3A_72 = arith.constant 256 : i32
    %mul3A_73 = arith.muli %arg1, %mul3A_72 : i32
    %add3A_74 = arith.constant 64 : i32
    %add3A_75 = arith.addi %mul3A_73, %add3A_74 : i32
    "tpu.region"() ({
      %run_scoped3A = tpu.sem_alloc : memref<!tpu.dma_semaphore, #tpu.memory_space<semaphore_mem>>
      %dma_start3A = arith.constant 0 : i32
      %dma_start3A_177 = tpu.memref_slice %arg16[%add3A_75, %dma_start3A] : memref<4096x304xf32, #tpu.memory_space<vmem_shared>> -> memref<64x304xf32, #tpu.memory_space<vmem_shared>>
      %dma_start3A_178 = arith.constant 0 : i32
      %dma_start3A_179 = tpu.memref_slice %arg16[%add3A_75, %dma_start3A_178] : memref<4096x304xf32, #tpu.memory_space<vmem_shared>> -> memref<64x304xf32, #tpu.memory_space<vmem_shared>>
      tpu.enqueue_dma source(%dma_start3A_179 : memref<64x304xf32, #tpu.memory_space<vmem_shared>>) target(%arg12 : memref<64x304xf32, #tpu.memory_space<vmem>>) target_semaphore(%run_scoped3A : memref<!tpu.dma_semaphore, #tpu.memory_space<semaphore_mem>>)
      %dma_wait3A = arith.constant 0 : i32
      %dma_wait3A_180 = tpu.memref_slice %arg16[%add3A_75, %dma_wait3A] : memref<4096x304xf32, #tpu.memory_space<vmem_shared>> -> memref<64x304xf32, #tpu.memory_space<vmem_shared>>
      %dma_wait3A_181 = arith.constant 0 : i32
      %dma_wait3A_182 = tpu.memref_slice %arg16[%add3A_75, %dma_wait3A_181] : memref<4096x304xf32, #tpu.memory_space<vmem_shared>> -> memref<64x304xf32, #tpu.memory_space<vmem_shared>>
      tpu.wait_dma2 semaphore(%run_scoped3A : memref<!tpu.dma_semaphore, #tpu.memory_space<semaphore_mem>>) src(%dma_wait3A_182 : memref<64x304xf32, #tpu.memory_space<vmem_shared>>) dst(%arg12 : memref<64x304xf32, #tpu.memory_space<vmem>>)
      tpu.yield
    }) : () -> ()
    %scan3A_76 = arith.constant 0 : i32
    %scan3A_77 = arith.constant 64 : i32
    %scan3A_78 = arith.addi %scan3A_76, %scan3A_77 : i32
    %scan3A_79 = arith.constant 1 : i32
    %scan3A_80:19 = scf.for %scan3A_177 = %scan3A_76 to %scan3A_78 step %scan3A_79 iter_args(%scan3A_178 = %scan3A_70#0, %scan3A_179 = %scan3A_70#1, %scan3A_180 = %scan3A_70#2, %scan3A_181 = %scan3A_70#3, %scan3A_182 = %scan3A_70#4, %scan3A_183 = %scan3A_70#5, %scan3A_184 = %scan3A_70#6, %scan3A_185 = %scan3A_70#7, %scan3A_186 = %scan3A_70#8, %scan3A_187 = %scan3A_70#9, %scan3A_188 = %scan3A_70#10, %scan3A_189 = %scan3A_70#11, %scan3A_190 = %scan3A_70#12, %scan3A_191 = %scan3A_70#13, %scan3A_192 = %scan3A_70#14, %scan3A_193 = %scan3A_70#15, %scan3A_194 = %scan3A_70#16, %scan3A_195 = %scan3A_70#17, %scan3A_196 = %scan3A_70#18) -> (vector<16xf32>, vector<16xf32>, vector<16xf32>, vector<16xf32>, vector<16xf32>, vector<16xf32>, vector<16xf32>, vector<16xf32>, vector<16xf32>, vector<16xf32>, vector<16xf32>, vector<16xf32>, vector<16xf32>, vector<16xf32>, vector<16xf32>, vector<16xf32>, vector<16xf32>, vector<16xf32>, vector<16xf32>)  : i32 {
      %add3A_197 = arith.constant 64 : i32
      %add3A_198 = arith.addi %add3A_197, %scan3A_177 : i32
      %get3A = arith.index_cast %add3A_198 : i32 to index
      %get3A_199 = arith.constant 0 : index
      %get3A_200 = tpu.vector_load %arg14[%get3A, %get3A_199] {strides = array<i32>} : memref<256x16xf32, #tpu.memory_space<vmem>>, vector<1x16xf32>,
      %get3A_201 = vector.shape_cast %get3A_200 : vector<1x16xf32> to vector<16xf32>
      %max3A = arith.constant 1.000000e+00 : f32
      %max3A_202 = vector.broadcast %max3A : f32 to vector<16xf32>
      %max3A_203 = arith.maximumf %get3A_201, %max3A_202 : vector<16xf32>
      %mul3A_204 = arith.constant 2.560000e+02 : f32
      %mul3A_205 = vector.broadcast %mul3A_204 : f32 to vector<16xf32>
      %mul3A_206 = arith.mulf %mul3A_205, %max3A_203 : vector<16xf32>
      %div3A = arith.constant 1.000000e+00 : f32
      %div3A_207 = vector.broadcast %div3A : f32 to vector<16xf32>
      %div3A_208 = arith.divf %div3A_207, %mul3A_206 : vector<16xf32>
      %get3A_209 = arith.index_cast %scan3A_177 : i32 to index
      %get3A_210 = arith.constant 0 : index
      %get3A_211 = tpu.vector_load %arg12[%get3A_209, %get3A_210] {strides = array<i32>} : memref<64x304xf32, #tpu.memory_space<vmem>>, vector<1x16xf32>,
      %get3A_212 = vector.shape_cast %get3A_211 : vector<1x16xf32> to vector<16xf32>
      %mul3A_213 = arith.mulf %div3A_208, %get3A_212 : vector<16xf32>
      %add3A_214 = arith.addf %scan3A_178, %mul3A_213 : vector<16xf32>
      %get3A_215 = arith.index_cast %scan3A_177 : i32 to index
      %get3A_216 = arith.constant 16 : index
      %get3A_217 = tpu.vector_load %arg12[%get3A_215, %get3A_216] {strides = array<i32>} : memref<64x304xf32, #tpu.memory_space<vmem>>, vector<1x16xf32>,
      %get3A_218 = vector.shape_cast %get3A_217 : vector<1x16xf32> to vector<16xf32>
      %mul3A_219 = arith.mulf %div3A_208, %get3A_218 : vector<16xf32>
      %add3A_220 = arith.addf %scan3A_179, %mul3A_219 : vector<16xf32>
      %get3A_221 = arith.index_cast %scan3A_177 : i32 to index
      %get3A_222 = arith.constant 32 : index
      %get3A_223 = tpu.vector_load %arg12[%get3A_221, %get3A_222] {strides = array<i32>} : memref<64x304xf32, #tpu.memory_space<vmem>>, vector<1x16xf32>,
      %get3A_224 = vector.shape_cast %get3A_223 : vector<1x16xf32> to vector<16xf32>
      %mul3A_225 = arith.mulf %div3A_208, %get3A_224 : vector<16xf32>
      %add3A_226 = arith.addf %scan3A_180, %mul3A_225 : vector<16xf32>
      %get3A_227 = arith.index_cast %scan3A_177 : i32 to index
      %get3A_228 = arith.constant 48 : index
      %get3A_229 = tpu.vector_load %arg12[%get3A_227, %get3A_228] {strides = array<i32>} : memref<64x304xf32, #tpu.memory_space<vmem>>, vector<1x16xf32>,
      %get3A_230 = vector.shape_cast %get3A_229 : vector<1x16xf32> to vector<16xf32>
      %mul3A_231 = arith.mulf %div3A_208, %get3A_230 : vector<16xf32>
      %add3A_232 = arith.addf %scan3A_181, %mul3A_231 : vector<16xf32>
      %get3A_233 = arith.index_cast %scan3A_177 : i32 to index
      %get3A_234 = arith.constant 64 : index
      %get3A_235 = tpu.vector_load %arg12[%get3A_233, %get3A_234] {strides = array<i32>} : memref<64x304xf32, #tpu.memory_space<vmem>>, vector<1x16xf32>,
      %get3A_236 = vector.shape_cast %get3A_235 : vector<1x16xf32> to vector<16xf32>
      %mul3A_237 = arith.mulf %div3A_208, %get3A_236 : vector<16xf32>
      %add3A_238 = arith.addf %scan3A_182, %mul3A_237 : vector<16xf32>
      %get3A_239 = arith.index_cast %scan3A_177 : i32 to index
      %get3A_240 = arith.constant 80 : index
      %get3A_241 = tpu.vector_load %arg12[%get3A_239, %get3A_240] {strides = array<i32>} : memref<64x304xf32, #tpu.memory_space<vmem>>, vector<1x16xf32>,
      %get3A_242 = vector.shape_cast %get3A_241 : vector<1x16xf32> to vector<16xf32>
      %mul3A_243 = arith.mulf %div3A_208, %get3A_242 : vector<16xf32>
      %add3A_244 = arith.addf %scan3A_183, %mul3A_243 : vector<16xf32>
      %get3A_245 = arith.index_cast %scan3A_177 : i32 to index
      %get3A_246 = arith.constant 96 : index
      %get3A_247 = tpu.vector_load %arg12[%get3A_245, %get3A_246] {strides = array<i32>} : memref<64x304xf32, #tpu.memory_space<vmem>>, vector<1x16xf32>,
      %get3A_248 = vector.shape_cast %get3A_247 : vector<1x16xf32> to vector<16xf32>
      %mul3A_249 = arith.mulf %div3A_208, %get3A_248 : vector<16xf32>
      %add3A_250 = arith.addf %scan3A_184, %mul3A_249 : vector<16xf32>
      %get3A_251 = arith.index_cast %scan3A_177 : i32 to index
      %get3A_252 = arith.constant 112 : index
      %get3A_253 = tpu.vector_load %arg12[%get3A_251, %get3A_252] {strides = array<i32>} : memref<64x304xf32, #tpu.memory_space<vmem>>, vector<1x16xf32>,
      %get3A_254 = vector.shape_cast %get3A_253 : vector<1x16xf32> to vector<16xf32>
      %mul3A_255 = arith.mulf %div3A_208, %get3A_254 : vector<16xf32>
      %add3A_256 = arith.addf %scan3A_185, %mul3A_255 : vector<16xf32>
      %get3A_257 = arith.index_cast %scan3A_177 : i32 to index
      %get3A_258 = arith.constant 128 : index
      %get3A_259 = tpu.vector_load %arg12[%get3A_257, %get3A_258] {strides = array<i32>} : memref<64x304xf32, #tpu.memory_space<vmem>>, vector<1x16xf32>,
      %get3A_260 = vector.shape_cast %get3A_259 : vector<1x16xf32> to vector<16xf32>
      %mul3A_261 = arith.mulf %div3A_208, %get3A_260 : vector<16xf32>
      %add3A_262 = arith.addf %scan3A_186, %mul3A_261 : vector<16xf32>
      %get3A_263 = arith.index_cast %scan3A_177 : i32 to index
      %get3A_264 = arith.constant 144 : index
      %get3A_265 = tpu.vector_load %arg12[%get3A_263, %get3A_264] {strides = array<i32>} : memref<64x304xf32, #tpu.memory_space<vmem>>, vector<1x16xf32>,
      %get3A_266 = vector.shape_cast %get3A_265 : vector<1x16xf32> to vector<16xf32>
      %mul3A_267 = arith.mulf %div3A_208, %get3A_266 : vector<16xf32>
      %add3A_268 = arith.addf %scan3A_187, %mul3A_267 : vector<16xf32>
      %get3A_269 = arith.index_cast %scan3A_177 : i32 to index
      %get3A_270 = arith.constant 160 : index
      %get3A_271 = tpu.vector_load %arg12[%get3A_269, %get3A_270] {strides = array<i32>} : memref<64x304xf32, #tpu.memory_space<vmem>>, vector<1x16xf32>,
      %get3A_272 = vector.shape_cast %get3A_271 : vector<1x16xf32> to vector<16xf32>
      %mul3A_273 = arith.mulf %div3A_208, %get3A_272 : vector<16xf32>
      %add3A_274 = arith.addf %scan3A_188, %mul3A_273 : vector<16xf32>
      %get3A_275 = arith.index_cast %scan3A_177 : i32 to index
      %get3A_276 = arith.constant 176 : index
      %get3A_277 = tpu.vector_load %arg12[%get3A_275, %get3A_276] {strides = array<i32>} : memref<64x304xf32, #tpu.memory_space<vmem>>, vector<1x16xf32>,
      %get3A_278 = vector.shape_cast %get3A_277 : vector<1x16xf32> to vector<16xf32>
      %mul3A_279 = arith.mulf %div3A_208, %get3A_278 : vector<16xf32>
      %add3A_280 = arith.addf %scan3A_189, %mul3A_279 : vector<16xf32>
      %get3A_281 = arith.index_cast %scan3A_177 : i32 to index
      %get3A_282 = arith.constant 192 : index
      %get3A_283 = tpu.vector_load %arg12[%get3A_281, %get3A_282] {strides = array<i32>} : memref<64x304xf32, #tpu.memory_space<vmem>>, vector<1x16xf32>,
      %get3A_284 = vector.shape_cast %get3A_283 : vector<1x16xf32> to vector<16xf32>
      %mul3A_285 = arith.mulf %div3A_208, %get3A_284 : vector<16xf32>
      %add3A_286 = arith.addf %scan3A_190, %mul3A_285 : vector<16xf32>
      %get3A_287 = arith.index_cast %scan3A_177 : i32 to index
      %get3A_288 = arith.constant 208 : index
      %get3A_289 = tpu.vector_load %arg12[%get3A_287, %get3A_288] {strides = array<i32>} : memref<64x304xf32, #tpu.memory_space<vmem>>, vector<1x16xf32>,
      %get3A_290 = vector.shape_cast %get3A_289 : vector<1x16xf32> to vector<16xf32>
      %mul3A_291 = arith.mulf %div3A_208, %get3A_290 : vector<16xf32>
      %add3A_292 = arith.addf %scan3A_191, %mul3A_291 : vector<16xf32>
      %get3A_293 = arith.index_cast %scan3A_177 : i32 to index
      %get3A_294 = arith.constant 224 : index
      %get3A_295 = tpu.vector_load %arg12[%get3A_293, %get3A_294] {strides = array<i32>} : memref<64x304xf32, #tpu.memory_space<vmem>>, vector<1x16xf32>,
      %get3A_296 = vector.shape_cast %get3A_295 : vector<1x16xf32> to vector<16xf32>
      %mul3A_297 = arith.mulf %div3A_208, %get3A_296 : vector<16xf32>
      %add3A_298 = arith.addf %scan3A_192, %mul3A_297 : vector<16xf32>
      %get3A_299 = arith.index_cast %scan3A_177 : i32 to index
      %get3A_300 = arith.constant 240 : index
      %get3A_301 = tpu.vector_load %arg12[%get3A_299, %get3A_300] {strides = array<i32>} : memref<64x304xf32, #tpu.memory_space<vmem>>, vector<1x16xf32>,
      %get3A_302 = vector.shape_cast %get3A_301 : vector<1x16xf32> to vector<16xf32>
      %mul3A_303 = arith.mulf %div3A_208, %get3A_302 : vector<16xf32>
      %add3A_304 = arith.addf %scan3A_193, %mul3A_303 : vector<16xf32>
      %get3A_305 = arith.index_cast %scan3A_177 : i32 to index
      %get3A_306 = arith.constant 256 : index
      %get3A_307 = tpu.vector_load %arg12[%get3A_305, %get3A_306] {strides = array<i32>} : memref<64x304xf32, #tpu.memory_space<vmem>>, vector<1x16xf32>,
      %get3A_308 = vector.shape_cast %get3A_307 : vector<1x16xf32> to vector<16xf32>
      %mul3A_309 = arith.mulf %div3A_208, %get3A_308 : vector<16xf32>
      %add3A_310 = arith.addf %scan3A_194, %mul3A_309 : vector<16xf32>
      %get3A_311 = arith.index_cast %scan3A_177 : i32 to index
      %get3A_312 = arith.constant 272 : index
      %get3A_313 = tpu.vector_load %arg12[%get3A_311, %get3A_312] {strides = array<i32>} : memref<64x304xf32, #tpu.memory_space<vmem>>, vector<1x16xf32>,
      %get3A_314 = vector.shape_cast %get3A_313 : vector<1x16xf32> to vector<16xf32>
      %mul3A_315 = arith.mulf %div3A_208, %get3A_314 : vector<16xf32>
      %add3A_316 = arith.addf %scan3A_195, %mul3A_315 : vector<16xf32>
      %get3A_317 = arith.index_cast %scan3A_177 : i32 to index
      %get3A_318 = arith.constant 288 : index
      %get3A_319 = tpu.vector_load %arg12[%get3A_317, %get3A_318] {strides = array<i32>} : memref<64x304xf32, #tpu.memory_space<vmem>>, vector<1x16xf32>,
      %get3A_320 = vector.shape_cast %get3A_319 : vector<1x16xf32> to vector<16xf32>
      %mul3A_321 = arith.mulf %div3A_208, %get3A_320 : vector<16xf32>
      %add3A_322 = arith.addf %scan3A_196, %mul3A_321 : vector<16xf32>
      scf.yield %add3A_214, %add3A_220, %add3A_226, %add3A_232, %add3A_238, %add3A_244, %add3A_250, %add3A_256, %add3A_262, %add3A_268, %add3A_274, %add3A_280, %add3A_286, %add3A_292, %add3A_298, %add3A_304, %add3A_310, %add3A_316, %add3A_322 : vector<16xf32>, vector<16xf32>, vector<16xf32>, vector<16xf32>, vector<16xf32>, vector<16xf32>, vector<16xf32>, vector<16xf32>, vector<16xf32>, vector<16xf32>, vector<16xf32>, vector<16xf32>, vector<16xf32>, vector<16xf32>, vector<16xf32>, vector<16xf32>, vector<16xf32>, vector<16xf32>, vector<16xf32>
    }
    %scan3A_81 = arith.constant 64 : i32
    %mul3A_82 = arith.constant 256 : i32
    %mul3A_83 = arith.muli %arg1, %mul3A_82 : i32
    %add3A_84 = arith.constant 128 : i32
    %add3A_85 = arith.addi %mul3A_83, %add3A_84 : i32
    "tpu.region"() ({
      %run_scoped3A = tpu.sem_alloc : memref<!tpu.dma_semaphore, #tpu.memory_space<semaphore_mem>>
      %dma_start3A = arith.constant 0 : i32
      %dma_start3A_177 = tpu.memref_slice %arg16[%add3A_85, %dma_start3A] : memref<4096x304xf32, #tpu.memory_space<vmem_shared>> -> memref<64x304xf32, #tpu.memory_space<vmem_shared>>
      %dma_start3A_178 = arith.constant 0 : i32
      %dma_start3A_179 = tpu.memref_slice %arg16[%add3A_85, %dma_start3A_178] : memref<4096x304xf32, #tpu.memory_space<vmem_shared>> -> memref<64x304xf32, #tpu.memory_space<vmem_shared>>
      tpu.enqueue_dma source(%dma_start3A_179 : memref<64x304xf32, #tpu.memory_space<vmem_shared>>) target(%arg12 : memref<64x304xf32, #tpu.memory_space<vmem>>) target_semaphore(%run_scoped3A : memref<!tpu.dma_semaphore, #tpu.memory_space<semaphore_mem>>)
      %dma_wait3A = arith.constant 0 : i32
      %dma_wait3A_180 = tpu.memref_slice %arg16[%add3A_85, %dma_wait3A] : memref<4096x304xf32, #tpu.memory_space<vmem_shared>> -> memref<64x304xf32, #tpu.memory_space<vmem_shared>>
      %dma_wait3A_181 = arith.constant 0 : i32
      %dma_wait3A_182 = tpu.memref_slice %arg16[%add3A_85, %dma_wait3A_181] : memref<4096x304xf32, #tpu.memory_space<vmem_shared>> -> memref<64x304xf32, #tpu.memory_space<vmem_shared>>
      tpu.wait_dma2 semaphore(%run_scoped3A : memref<!tpu.dma_semaphore, #tpu.memory_space<semaphore_mem>>) src(%dma_wait3A_182 : memref<64x304xf32, #tpu.memory_space<vmem_shared>>) dst(%arg12 : memref<64x304xf32, #tpu.memory_space<vmem>>)
      tpu.yield
    }) : () -> ()
    %scan3A_86 = arith.constant 0 : i32
    %scan3A_87 = arith.constant 64 : i32
    %scan3A_88 = arith.addi %scan3A_86, %scan3A_87 : i32
    %scan3A_89 = arith.constant 1 : i32
    %scan3A_90:19 = scf.for %scan3A_177 = %scan3A_86 to %scan3A_88 step %scan3A_89 iter_args(%scan3A_178 = %scan3A_80#0, %scan3A_179 = %scan3A_80#1, %scan3A_180 = %scan3A_80#2, %scan3A_181 = %scan3A_80#3, %scan3A_182 = %scan3A_80#4, %scan3A_183 = %scan3A_80#5, %scan3A_184 = %scan3A_80#6, %scan3A_185 = %scan3A_80#7, %scan3A_186 = %scan3A_80#8, %scan3A_187 = %scan3A_80#9, %scan3A_188 = %scan3A_80#10, %scan3A_189 = %scan3A_80#11, %scan3A_190 = %scan3A_80#12, %scan3A_191 = %scan3A_80#13, %scan3A_192 = %scan3A_80#14, %scan3A_193 = %scan3A_80#15, %scan3A_194 = %scan3A_80#16, %scan3A_195 = %scan3A_80#17, %scan3A_196 = %scan3A_80#18) -> (vector<16xf32>, vector<16xf32>, vector<16xf32>, vector<16xf32>, vector<16xf32>, vector<16xf32>, vector<16xf32>, vector<16xf32>, vector<16xf32>, vector<16xf32>, vector<16xf32>, vector<16xf32>, vector<16xf32>, vector<16xf32>, vector<16xf32>, vector<16xf32>, vector<16xf32>, vector<16xf32>, vector<16xf32>)  : i32 {
      %add3A_197 = arith.constant 128 : i32
      %add3A_198 = arith.addi %add3A_197, %scan3A_177 : i32
      %get3A = arith.index_cast %add3A_198 : i32 to index
      %get3A_199 = arith.constant 0 : index
      %get3A_200 = tpu.vector_load %arg14[%get3A, %get3A_199] {strides = array<i32>} : memref<256x16xf32, #tpu.memory_space<vmem>>, vector<1x16xf32>,
      %get3A_201 = vector.shape_cast %get3A_200 : vector<1x16xf32> to vector<16xf32>
      %max3A = arith.constant 1.000000e+00 : f32
      %max3A_202 = vector.broadcast %max3A : f32 to vector<16xf32>
      %max3A_203 = arith.maximumf %get3A_201, %max3A_202 : vector<16xf32>
      %mul3A_204 = arith.constant 2.560000e+02 : f32
      %mul3A_205 = vector.broadcast %mul3A_204 : f32 to vector<16xf32>
      %mul3A_206 = arith.mulf %mul3A_205, %max3A_203 : vector<16xf32>
      %div3A = arith.constant 1.000000e+00 : f32
      %div3A_207 = vector.broadcast %div3A : f32 to vector<16xf32>
      %div3A_208 = arith.divf %div3A_207, %mul3A_206 : vector<16xf32>
      %get3A_209 = arith.index_cast %scan3A_177 : i32 to index
      %get3A_210 = arith.constant 0 : index
      %get3A_211 = tpu.vector_load %arg12[%get3A_209, %get3A_210] {strides = array<i32>} : memref<64x304xf32, #tpu.memory_space<vmem>>, vector<1x16xf32>,
      %get3A_212 = vector.shape_cast %get3A_211 : vector<1x16xf32> to vector<16xf32>
      %mul3A_213 = arith.mulf %div3A_208, %get3A_212 : vector<16xf32>
      %add3A_214 = arith.addf %scan3A_178, %mul3A_213 : vector<16xf32>
      %get3A_215 = arith.index_cast %scan3A_177 : i32 to index
      %get3A_216 = arith.constant 16 : index
      %get3A_217 = tpu.vector_load %arg12[%get3A_215, %get3A_216] {strides = array<i32>} : memref<64x304xf32, #tpu.memory_space<vmem>>, vector<1x16xf32>,
      %get3A_218 = vector.shape_cast %get3A_217 : vector<1x16xf32> to vector<16xf32>
      %mul3A_219 = arith.mulf %div3A_208, %get3A_218 : vector<16xf32>
      %add3A_220 = arith.addf %scan3A_179, %mul3A_219 : vector<16xf32>
      %get3A_221 = arith.index_cast %scan3A_177 : i32 to index
      %get3A_222 = arith.constant 32 : index
      %get3A_223 = tpu.vector_load %arg12[%get3A_221, %get3A_222] {strides = array<i32>} : memref<64x304xf32, #tpu.memory_space<vmem>>, vector<1x16xf32>,
      %get3A_224 = vector.shape_cast %get3A_223 : vector<1x16xf32> to vector<16xf32>
      %mul3A_225 = arith.mulf %div3A_208, %get3A_224 : vector<16xf32>
      %add3A_226 = arith.addf %scan3A_180, %mul3A_225 : vector<16xf32>
      %get3A_227 = arith.index_cast %scan3A_177 : i32 to index
      %get3A_228 = arith.constant 48 : index
      %get3A_229 = tpu.vector_load %arg12[%get3A_227, %get3A_228] {strides = array<i32>} : memref<64x304xf32, #tpu.memory_space<vmem>>, vector<1x16xf32>,
      %get3A_230 = vector.shape_cast %get3A_229 : vector<1x16xf32> to vector<16xf32>
      %mul3A_231 = arith.mulf %div3A_208, %get3A_230 : vector<16xf32>
      %add3A_232 = arith.addf %scan3A_181, %mul3A_231 : vector<16xf32>
      %get3A_233 = arith.index_cast %scan3A_177 : i32 to index
      %get3A_234 = arith.constant 64 : index
      %get3A_235 = tpu.vector_load %arg12[%get3A_233, %get3A_234] {strides = array<i32>} : memref<64x304xf32, #tpu.memory_space<vmem>>, vector<1x16xf32>,
      %get3A_236 = vector.shape_cast %get3A_235 : vector<1x16xf32> to vector<16xf32>
      %mul3A_237 = arith.mulf %div3A_208, %get3A_236 : vector<16xf32>
      %add3A_238 = arith.addf %scan3A_182, %mul3A_237 : vector<16xf32>
      %get3A_239 = arith.index_cast %scan3A_177 : i32 to index
      %get3A_240 = arith.constant 80 : index
      %get3A_241 = tpu.vector_load %arg12[%get3A_239, %get3A_240] {strides = array<i32>} : memref<64x304xf32, #tpu.memory_space<vmem>>, vector<1x16xf32>,
      %get3A_242 = vector.shape_cast %get3A_241 : vector<1x16xf32> to vector<16xf32>
      %mul3A_243 = arith.mulf %div3A_208, %get3A_242 : vector<16xf32>
      %add3A_244 = arith.addf %scan3A_183, %mul3A_243 : vector<16xf32>
      %get3A_245 = arith.index_cast %scan3A_177 : i32 to index
      %get3A_246 = arith.constant 96 : index
      %get3A_247 = tpu.vector_load %arg12[%get3A_245, %get3A_246] {strides = array<i32>} : memref<64x304xf32, #tpu.memory_space<vmem>>, vector<1x16xf32>,
      %get3A_248 = vector.shape_cast %get3A_247 : vector<1x16xf32> to vector<16xf32>
      %mul3A_249 = arith.mulf %div3A_208, %get3A_248 : vector<16xf32>
      %add3A_250 = arith.addf %scan3A_184, %mul3A_249 : vector<16xf32>
      %get3A_251 = arith.index_cast %scan3A_177 : i32 to index
      %get3A_252 = arith.constant 112 : index
      %get3A_253 = tpu.vector_load %arg12[%get3A_251, %get3A_252] {strides = array<i32>} : memref<64x304xf32, #tpu.memory_space<vmem>>, vector<1x16xf32>,
      %get3A_254 = vector.shape_cast %get3A_253 : vector<1x16xf32> to vector<16xf32>
      %mul3A_255 = arith.mulf %div3A_208, %get3A_254 : vector<16xf32>
      %add3A_256 = arith.addf %scan3A_185, %mul3A_255 : vector<16xf32>
      %get3A_257 = arith.index_cast %scan3A_177 : i32 to index
      %get3A_258 = arith.constant 128 : index
      %get3A_259 = tpu.vector_load %arg12[%get3A_257, %get3A_258] {strides = array<i32>} : memref<64x304xf32, #tpu.memory_space<vmem>>, vector<1x16xf32>,
      %get3A_260 = vector.shape_cast %get3A_259 : vector<1x16xf32> to vector<16xf32>
      %mul3A_261 = arith.mulf %div3A_208, %get3A_260 : vector<16xf32>
      %add3A_262 = arith.addf %scan3A_186, %mul3A_261 : vector<16xf32>
      %get3A_263 = arith.index_cast %scan3A_177 : i32 to index
      %get3A_264 = arith.constant 144 : index
      %get3A_265 = tpu.vector_load %arg12[%get3A_263, %get3A_264] {strides = array<i32>} : memref<64x304xf32, #tpu.memory_space<vmem>>, vector<1x16xf32>,
      %get3A_266 = vector.shape_cast %get3A_265 : vector<1x16xf32> to vector<16xf32>
      %mul3A_267 = arith.mulf %div3A_208, %get3A_266 : vector<16xf32>
      %add3A_268 = arith.addf %scan3A_187, %mul3A_267 : vector<16xf32>
      %get3A_269 = arith.index_cast %scan3A_177 : i32 to index
      %get3A_270 = arith.constant 160 : index
      %get3A_271 = tpu.vector_load %arg12[%get3A_269, %get3A_270] {strides = array<i32>} : memref<64x304xf32, #tpu.memory_space<vmem>>, vector<1x16xf32>,
      %get3A_272 = vector.shape_cast %get3A_271 : vector<1x16xf32> to vector<16xf32>
      %mul3A_273 = arith.mulf %div3A_208, %get3A_272 : vector<16xf32>
      %add3A_274 = arith.addf %scan3A_188, %mul3A_273 : vector<16xf32>
      %get3A_275 = arith.index_cast %scan3A_177 : i32 to index
      %get3A_276 = arith.constant 176 : index
      %get3A_277 = tpu.vector_load %arg12[%get3A_275, %get3A_276] {strides = array<i32>} : memref<64x304xf32, #tpu.memory_space<vmem>>, vector<1x16xf32>,
      %get3A_278 = vector.shape_cast %get3A_277 : vector<1x16xf32> to vector<16xf32>
      %mul3A_279 = arith.mulf %div3A_208, %get3A_278 : vector<16xf32>
      %add3A_280 = arith.addf %scan3A_189, %mul3A_279 : vector<16xf32>
      %get3A_281 = arith.index_cast %scan3A_177 : i32 to index
      %get3A_282 = arith.constant 192 : index
      %get3A_283 = tpu.vector_load %arg12[%get3A_281, %get3A_282] {strides = array<i32>} : memref<64x304xf32, #tpu.memory_space<vmem>>, vector<1x16xf32>,
      %get3A_284 = vector.shape_cast %get3A_283 : vector<1x16xf32> to vector<16xf32>
      %mul3A_285 = arith.mulf %div3A_208, %get3A_284 : vector<16xf32>
      %add3A_286 = arith.addf %scan3A_190, %mul3A_285 : vector<16xf32>
      %get3A_287 = arith.index_cast %scan3A_177 : i32 to index
      %get3A_288 = arith.constant 208 : index
      %get3A_289 = tpu.vector_load %arg12[%get3A_287, %get3A_288] {strides = array<i32>} : memref<64x304xf32, #tpu.memory_space<vmem>>, vector<1x16xf32>,
      %get3A_290 = vector.shape_cast %get3A_289 : vector<1x16xf32> to vector<16xf32>
      %mul3A_291 = arith.mulf %div3A_208, %get3A_290 : vector<16xf32>
      %add3A_292 = arith.addf %scan3A_191, %mul3A_291 : vector<16xf32>
      %get3A_293 = arith.index_cast %scan3A_177 : i32 to index
      %get3A_294 = arith.constant 224 : index
      %get3A_295 = tpu.vector_load %arg12[%get3A_293, %get3A_294] {strides = array<i32>} : memref<64x304xf32, #tpu.memory_space<vmem>>, vector<1x16xf32>,
      %get3A_296 = vector.shape_cast %get3A_295 : vector<1x16xf32> to vector<16xf32>
      %mul3A_297 = arith.mulf %div3A_208, %get3A_296 : vector<16xf32>
      %add3A_298 = arith.addf %scan3A_192, %mul3A_297 : vector<16xf32>
      %get3A_299 = arith.index_cast %scan3A_177 : i32 to index
      %get3A_300 = arith.constant 240 : index
      %get3A_301 = tpu.vector_load %arg12[%get3A_299, %get3A_300] {strides = array<i32>} : memref<64x304xf32, #tpu.memory_space<vmem>>, vector<1x16xf32>,
      %get3A_302 = vector.shape_cast %get3A_301 : vector<1x16xf32> to vector<16xf32>
      %mul3A_303 = arith.mulf %div3A_208, %get3A_302 : vector<16xf32>
      %add3A_304 = arith.addf %scan3A_193, %mul3A_303 : vector<16xf32>
      %get3A_305 = arith.index_cast %scan3A_177 : i32 to index
      %get3A_306 = arith.constant 256 : index
      %get3A_307 = tpu.vector_load %arg12[%get3A_305, %get3A_306] {strides = array<i32>} : memref<64x304xf32, #tpu.memory_space<vmem>>, vector<1x16xf32>,
      %get3A_308 = vector.shape_cast %get3A_307 : vector<1x16xf32> to vector<16xf32>
      %mul3A_309 = arith.mulf %div3A_208, %get3A_308 : vector<16xf32>
      %add3A_310 = arith.addf %scan3A_194, %mul3A_309 : vector<16xf32>
      %get3A_311 = arith.index_cast %scan3A_177 : i32 to index
      %get3A_312 = arith.constant 272 : index
      %get3A_313 = tpu.vector_load %arg12[%get3A_311, %get3A_312] {strides = array<i32>} : memref<64x304xf32, #tpu.memory_space<vmem>>, vector<1x16xf32>,
      %get3A_314 = vector.shape_cast %get3A_313 : vector<1x16xf32> to vector<16xf32>
      %mul3A_315 = arith.mulf %div3A_208, %get3A_314 : vector<16xf32>
      %add3A_316 = arith.addf %scan3A_195, %mul3A_315 : vector<16xf32>
      %get3A_317 = arith.index_cast %scan3A_177 : i32 to index
      %get3A_318 = arith.constant 288 : index
      %get3A_319 = tpu.vector_load %arg12[%get3A_317, %get3A_318] {strides = array<i32>} : memref<64x304xf32, #tpu.memory_space<vmem>>, vector<1x16xf32>,
      %get3A_320 = vector.shape_cast %get3A_319 : vector<1x16xf32> to vector<16xf32>
      %mul3A_321 = arith.mulf %div3A_208, %get3A_320 : vector<16xf32>
      %add3A_322 = arith.addf %scan3A_196, %mul3A_321 : vector<16xf32>
      scf.yield %add3A_214, %add3A_220, %add3A_226, %add3A_232, %add3A_238, %add3A_244, %add3A_250, %add3A_256, %add3A_262, %add3A_268, %add3A_274, %add3A_280, %add3A_286, %add3A_292, %add3A_298, %add3A_304, %add3A_310, %add3A_316, %add3A_322 : vector<16xf32>, vector<16xf32>, vector<16xf32>, vector<16xf32>, vector<16xf32>, vector<16xf32>, vector<16xf32>, vector<16xf32>, vector<16xf32>, vector<16xf32>, vector<16xf32>, vector<16xf32>, vector<16xf32>, vector<16xf32>, vector<16xf32>, vector<16xf32>, vector<16xf32>, vector<16xf32>, vector<16xf32>
    }
    %scan3A_91 = arith.constant 64 : i32
    %mul3A_92 = arith.constant 256 : i32
    %mul3A_93 = arith.muli %arg1, %mul3A_92 : i32
    %add3A_94 = arith.constant 192 : i32
    %add3A_95 = arith.addi %mul3A_93, %add3A_94 : i32
    "tpu.region"() ({
      %run_scoped3A = tpu.sem_alloc : memref<!tpu.dma_semaphore, #tpu.memory_space<semaphore_mem>>
      %dma_start3A = arith.constant 0 : i32
      %dma_start3A_177 = tpu.memref_slice %arg16[%add3A_95, %dma_start3A] : memref<4096x304xf32, #tpu.memory_space<vmem_shared>> -> memref<64x304xf32, #tpu.memory_space<vmem_shared>>
      %dma_start3A_178 = arith.constant 0 : i32
      %dma_start3A_179 = tpu.memref_slice %arg16[%add3A_95, %dma_start3A_178] : memref<4096x304xf32, #tpu.memory_space<vmem_shared>> -> memref<64x304xf32, #tpu.memory_space<vmem_shared>>
      tpu.enqueue_dma source(%dma_start3A_179 : memref<64x304xf32, #tpu.memory_space<vmem_shared>>) target(%arg12 : memref<64x304xf32, #tpu.memory_space<vmem>>) target_semaphore(%run_scoped3A : memref<!tpu.dma_semaphore, #tpu.memory_space<semaphore_mem>>)
      %dma_wait3A = arith.constant 0 : i32
      %dma_wait3A_180 = tpu.memref_slice %arg16[%add3A_95, %dma_wait3A] : memref<4096x304xf32, #tpu.memory_space<vmem_shared>> -> memref<64x304xf32, #tpu.memory_space<vmem_shared>>
      %dma_wait3A_181 = arith.constant 0 : i32
      %dma_wait3A_182 = tpu.memref_slice %arg16[%add3A_95, %dma_wait3A_181] : memref<4096x304xf32, #tpu.memory_space<vmem_shared>> -> memref<64x304xf32, #tpu.memory_space<vmem_shared>>
      tpu.wait_dma2 semaphore(%run_scoped3A : memref<!tpu.dma_semaphore, #tpu.memory_space<semaphore_mem>>) src(%dma_wait3A_182 : memref<64x304xf32, #tpu.memory_space<vmem_shared>>) dst(%arg12 : memref<64x304xf32, #tpu.memory_space<vmem>>)
      tpu.yield
    }) : () -> ()
    %scan3A_96 = arith.constant 0 : i32
    %scan3A_97 = arith.constant 64 : i32
    %scan3A_98 = arith.addi %scan3A_96, %scan3A_97 : i32
    %scan3A_99 = arith.constant 1 : i32
    %scan3A_100:19 = scf.for %scan3A_177 = %scan3A_96 to %scan3A_98 step %scan3A_99 iter_args(%scan3A_178 = %scan3A_90#0, %scan3A_179 = %scan3A_90#1, %scan3A_180 = %scan3A_90#2, %scan3A_181 = %scan3A_90#3, %scan3A_182 = %scan3A_90#4, %scan3A_183 = %scan3A_90#5, %scan3A_184 = %scan3A_90#6, %scan3A_185 = %scan3A_90#7, %scan3A_186 = %scan3A_90#8, %scan3A_187 = %scan3A_90#9, %scan3A_188 = %scan3A_90#10, %scan3A_189 = %scan3A_90#11, %scan3A_190 = %scan3A_90#12, %scan3A_191 = %scan3A_90#13, %scan3A_192 = %scan3A_90#14, %scan3A_193 = %scan3A_90#15, %scan3A_194 = %scan3A_90#16, %scan3A_195 = %scan3A_90#17, %scan3A_196 = %scan3A_90#18) -> (vector<16xf32>, vector<16xf32>, vector<16xf32>, vector<16xf32>, vector<16xf32>, vector<16xf32>, vector<16xf32>, vector<16xf32>, vector<16xf32>, vector<16xf32>, vector<16xf32>, vector<16xf32>, vector<16xf32>, vector<16xf32>, vector<16xf32>, vector<16xf32>, vector<16xf32>, vector<16xf32>, vector<16xf32>)  : i32 {
      %add3A_197 = arith.constant 192 : i32
      %add3A_198 = arith.addi %add3A_197, %scan3A_177 : i32
      %get3A = arith.index_cast %add3A_198 : i32 to index
      %get3A_199 = arith.constant 0 : index
      %get3A_200 = tpu.vector_load %arg14[%get3A, %get3A_199] {strides = array<i32>} : memref<256x16xf32, #tpu.memory_space<vmem>>, vector<1x16xf32>,
      %get3A_201 = vector.shape_cast %get3A_200 : vector<1x16xf32> to vector<16xf32>
      %max3A = arith.constant 1.000000e+00 : f32
      %max3A_202 = vector.broadcast %max3A : f32 to vector<16xf32>
      %max3A_203 = arith.maximumf %get3A_201, %max3A_202 : vector<16xf32>
      %mul3A_204 = arith.constant 2.560000e+02 : f32
      %mul3A_205 = vector.broadcast %mul3A_204 : f32 to vector<16xf32>
      %mul3A_206 = arith.mulf %mul3A_205, %max3A_203 : vector<16xf32>
      %div3A = arith.constant 1.000000e+00 : f32
      %div3A_207 = vector.broadcast %div3A : f32 to vector<16xf32>
      %div3A_208 = arith.divf %div3A_207, %mul3A_206 : vector<16xf32>
      %get3A_209 = arith.index_cast %scan3A_177 : i32 to index
      %get3A_210 = arith.constant 0 : index
      %get3A_211 = tpu.vector_load %arg12[%get3A_209, %get3A_210] {strides = array<i32>} : memref<64x304xf32, #tpu.memory_space<vmem>>, vector<1x16xf32>,
      %get3A_212 = vector.shape_cast %get3A_211 : vector<1x16xf32> to vector<16xf32>
      %mul3A_213 = arith.mulf %div3A_208, %get3A_212 : vector<16xf32>
      %add3A_214 = arith.addf %scan3A_178, %mul3A_213 : vector<16xf32>
      %get3A_215 = arith.index_cast %scan3A_177 : i32 to index
      %get3A_216 = arith.constant 16 : index
      %get3A_217 = tpu.vector_load %arg12[%get3A_215, %get3A_216] {strides = array<i32>} : memref<64x304xf32, #tpu.memory_space<vmem>>, vector<1x16xf32>,
      %get3A_218 = vector.shape_cast %get3A_217 : vector<1x16xf32> to vector<16xf32>
      %mul3A_219 = arith.mulf %div3A_208, %get3A_218 : vector<16xf32>
      %add3A_220 = arith.addf %scan3A_179, %mul3A_219 : vector<16xf32>
      %get3A_221 = arith.index_cast %scan3A_177 : i32 to index
      %get3A_222 = arith.constant 32 : index
      %get3A_223 = tpu.vector_load %arg12[%get3A_221, %get3A_222] {strides = array<i32>} : memref<64x304xf32, #tpu.memory_space<vmem>>, vector<1x16xf32>,
      %get3A_224 = vector.shape_cast %get3A_223 : vector<1x16xf32> to vector<16xf32>
      %mul3A_225 = arith.mulf %div3A_208, %get3A_224 : vector<16xf32>
      %add3A_226 = arith.addf %scan3A_180, %mul3A_225 : vector<16xf32>
      %get3A_227 = arith.index_cast %scan3A_177 : i32 to index
      %get3A_228 = arith.constant 48 : index
      %get3A_229 = tpu.vector_load %arg12[%get3A_227, %get3A_228] {strides = array<i32>} : memref<64x304xf32, #tpu.memory_space<vmem>>, vector<1x16xf32>,
      %get3A_230 = vector.shape_cast %get3A_229 : vector<1x16xf32> to vector<16xf32>
      %mul3A_231 = arith.mulf %div3A_208, %get3A_230 : vector<16xf32>
      %add3A_232 = arith.addf %scan3A_181, %mul3A_231 : vector<16xf32>
      %get3A_233 = arith.index_cast %scan3A_177 : i32 to index
      %get3A_234 = arith.constant 64 : index
      %get3A_235 = tpu.vector_load %arg12[%get3A_233, %get3A_234] {strides = array<i32>} : memref<64x304xf32, #tpu.memory_space<vmem>>, vector<1x16xf32>,
      %get3A_236 = vector.shape_cast %get3A_235 : vector<1x16xf32> to vector<16xf32>
      %mul3A_237 = arith.mulf %div3A_208, %get3A_236 : vector<16xf32>
      %add3A_238 = arith.addf %scan3A_182, %mul3A_237 : vector<16xf32>
      %get3A_239 = arith.index_cast %scan3A_177 : i32 to index
      %get3A_240 = arith.constant 80 : index
      %get3A_241 = tpu.vector_load %arg12[%get3A_239, %get3A_240] {strides = array<i32>} : memref<64x304xf32, #tpu.memory_space<vmem>>, vector<1x16xf32>,
      %get3A_242 = vector.shape_cast %get3A_241 : vector<1x16xf32> to vector<16xf32>
      %mul3A_243 = arith.mulf %div3A_208, %get3A_242 : vector<16xf32>
      %add3A_244 = arith.addf %scan3A_183, %mul3A_243 : vector<16xf32>
      %get3A_245 = arith.index_cast %scan3A_177 : i32 to index
      %get3A_246 = arith.constant 96 : index
      %get3A_247 = tpu.vector_load %arg12[%get3A_245, %get3A_246] {strides = array<i32>} : memref<64x304xf32, #tpu.memory_space<vmem>>, vector<1x16xf32>,
      %get3A_248 = vector.shape_cast %get3A_247 : vector<1x16xf32> to vector<16xf32>
      %mul3A_249 = arith.mulf %div3A_208, %get3A_248 : vector<16xf32>
      %add3A_250 = arith.addf %scan3A_184, %mul3A_249 : vector<16xf32>
      %get3A_251 = arith.index_cast %scan3A_177 : i32 to index
      %get3A_252 = arith.constant 112 : index
      %get3A_253 = tpu.vector_load %arg12[%get3A_251, %get3A_252] {strides = array<i32>} : memref<64x304xf32, #tpu.memory_space<vmem>>, vector<1x16xf32>,
      %get3A_254 = vector.shape_cast %get3A_253 : vector<1x16xf32> to vector<16xf32>
      %mul3A_255 = arith.mulf %div3A_208, %get3A_254 : vector<16xf32>
      %add3A_256 = arith.addf %scan3A_185, %mul3A_255 : vector<16xf32>
      %get3A_257 = arith.index_cast %scan3A_177 : i32 to index
      %get3A_258 = arith.constant 128 : index
      %get3A_259 = tpu.vector_load %arg12[%get3A_257, %get3A_258] {strides = array<i32>} : memref<64x304xf32, #tpu.memory_space<vmem>>, vector<1x16xf32>,
      %get3A_260 = vector.shape_cast %get3A_259 : vector<1x16xf32> to vector<16xf32>
      %mul3A_261 = arith.mulf %div3A_208, %get3A_260 : vector<16xf32>
      %add3A_262 = arith.addf %scan3A_186, %mul3A_261 : vector<16xf32>
      %get3A_263 = arith.index_cast %scan3A_177 : i32 to index
      %get3A_264 = arith.constant 144 : index
      %get3A_265 = tpu.vector_load %arg12[%get3A_263, %get3A_264] {strides = array<i32>} : memref<64x304xf32, #tpu.memory_space<vmem>>, vector<1x16xf32>,
      %get3A_266 = vector.shape_cast %get3A_265 : vector<1x16xf32> to vector<16xf32>
      %mul3A_267 = arith.mulf %div3A_208, %get3A_266 : vector<16xf32>
      %add3A_268 = arith.addf %scan3A_187, %mul3A_267 : vector<16xf32>
      %get3A_269 = arith.index_cast %scan3A_177 : i32 to index
      %get3A_270 = arith.constant 160 : index
      %get3A_271 = tpu.vector_load %arg12[%get3A_269, %get3A_270] {strides = array<i32>} : memref<64x304xf32, #tpu.memory_space<vmem>>, vector<1x16xf32>,
      %get3A_272 = vector.shape_cast %get3A_271 : vector<1x16xf32> to vector<16xf32>
      %mul3A_273 = arith.mulf %div3A_208, %get3A_272 : vector<16xf32>
      %add3A_274 = arith.addf %scan3A_188, %mul3A_273 : vector<16xf32>
      %get3A_275 = arith.index_cast %scan3A_177 : i32 to index
      %get3A_276 = arith.constant 176 : index
      %get3A_277 = tpu.vector_load %arg12[%get3A_275, %get3A_276] {strides = array<i32>} : memref<64x304xf32, #tpu.memory_space<vmem>>, vector<1x16xf32>,
      %get3A_278 = vector.shape_cast %get3A_277 : vector<1x16xf32> to vector<16xf32>
      %mul3A_279 = arith.mulf %div3A_208, %get3A_278 : vector<16xf32>
      %add3A_280 = arith.addf %scan3A_189, %mul3A_279 : vector<16xf32>
      %get3A_281 = arith.index_cast %scan3A_177 : i32 to index
      %get3A_282 = arith.constant 192 : index
      %get3A_283 = tpu.vector_load %arg12[%get3A_281, %get3A_282] {strides = array<i32>} : memref<64x304xf32, #tpu.memory_space<vmem>>, vector<1x16xf32>,
      %get3A_284 = vector.shape_cast %get3A_283 : vector<1x16xf32> to vector<16xf32>
      %mul3A_285 = arith.mulf %div3A_208, %get3A_284 : vector<16xf32>
      %add3A_286 = arith.addf %scan3A_190, %mul3A_285 : vector<16xf32>
      %get3A_287 = arith.index_cast %scan3A_177 : i32 to index
      %get3A_288 = arith.constant 208 : index
      %get3A_289 = tpu.vector_load %arg12[%get3A_287, %get3A_288] {strides = array<i32>} : memref<64x304xf32, #tpu.memory_space<vmem>>, vector<1x16xf32>,
      %get3A_290 = vector.shape_cast %get3A_289 : vector<1x16xf32> to vector<16xf32>
      %mul3A_291 = arith.mulf %div3A_208, %get3A_290 : vector<16xf32>
      %add3A_292 = arith.addf %scan3A_191, %mul3A_291 : vector<16xf32>
      %get3A_293 = arith.index_cast %scan3A_177 : i32 to index
      %get3A_294 = arith.constant 224 : index
      %get3A_295 = tpu.vector_load %arg12[%get3A_293, %get3A_294] {strides = array<i32>} : memref<64x304xf32, #tpu.memory_space<vmem>>, vector<1x16xf32>,
      %get3A_296 = vector.shape_cast %get3A_295 : vector<1x16xf32> to vector<16xf32>
      %mul3A_297 = arith.mulf %div3A_208, %get3A_296 : vector<16xf32>
      %add3A_298 = arith.addf %scan3A_192, %mul3A_297 : vector<16xf32>
      %get3A_299 = arith.index_cast %scan3A_177 : i32 to index
      %get3A_300 = arith.constant 240 : index
      %get3A_301 = tpu.vector_load %arg12[%get3A_299, %get3A_300] {strides = array<i32>} : memref<64x304xf32, #tpu.memory_space<vmem>>, vector<1x16xf32>,
      %get3A_302 = vector.shape_cast %get3A_301 : vector<1x16xf32> to vector<16xf32>
      %mul3A_303 = arith.mulf %div3A_208, %get3A_302 : vector<16xf32>
      %add3A_304 = arith.addf %scan3A_193, %mul3A_303 : vector<16xf32>
      %get3A_305 = arith.index_cast %scan3A_177 : i32 to index
      %get3A_306 = arith.constant 256 : index
      %get3A_307 = tpu.vector_load %arg12[%get3A_305, %get3A_306] {strides = array<i32>} : memref<64x304xf32, #tpu.memory_space<vmem>>, vector<1x16xf32>,
      %get3A_308 = vector.shape_cast %get3A_307 : vector<1x16xf32> to vector<16xf32>
      %mul3A_309 = arith.mulf %div3A_208, %get3A_308 : vector<16xf32>
      %add3A_310 = arith.addf %scan3A_194, %mul3A_309 : vector<16xf32>
      %get3A_311 = arith.index_cast %scan3A_177 : i32 to index
      %get3A_312 = arith.constant 272 : index
      %get3A_313 = tpu.vector_load %arg12[%get3A_311, %get3A_312] {strides = array<i32>} : memref<64x304xf32, #tpu.memory_space<vmem>>, vector<1x16xf32>,
      %get3A_314 = vector.shape_cast %get3A_313 : vector<1x16xf32> to vector<16xf32>
      %mul3A_315 = arith.mulf %div3A_208, %get3A_314 : vector<16xf32>
      %add3A_316 = arith.addf %scan3A_195, %mul3A_315 : vector<16xf32>
      %get3A_317 = arith.index_cast %scan3A_177 : i32 to index
      %get3A_318 = arith.constant 288 : index
      %get3A_319 = tpu.vector_load %arg12[%get3A_317, %get3A_318] {strides = array<i32>} : memref<64x304xf32, #tpu.memory_space<vmem>>, vector<1x16xf32>,
      %get3A_320 = vector.shape_cast %get3A_319 : vector<1x16xf32> to vector<16xf32>
      %mul3A_321 = arith.mulf %div3A_208, %get3A_320 : vector<16xf32>
      %add3A_322 = arith.addf %scan3A_196, %mul3A_321 : vector<16xf32>
      scf.yield %add3A_214, %add3A_220, %add3A_226, %add3A_232, %add3A_238, %add3A_244, %add3A_250, %add3A_256, %add3A_262, %add3A_268, %add3A_274, %add3A_280, %add3A_286, %add3A_292, %add3A_298, %add3A_304, %add3A_310, %add3A_316, %add3A_322 : vector<16xf32>, vector<16xf32>, vector<16xf32>, vector<16xf32>, vector<16xf32>, vector<16xf32>, vector<16xf32>, vector<16xf32>, vector<16xf32>, vector<16xf32>, vector<16xf32>, vector<16xf32>, vector<16xf32>, vector<16xf32>, vector<16xf32>, vector<16xf32>, vector<16xf32>, vector<16xf32>, vector<16xf32>
    }
    %scan3A_101 = arith.constant 64 : i32
    %swap3A = arith.constant 0 : index
    %swap3A_102 = tpu.vector_load %arg15[%swap3A] {strides = array<i32>} : memref<304xf32, #tpu.memory_space<vmem>>, vector<16xf32>,
    %swap3A_103 = vector.shape_cast %swap3A_102 : vector<16xf32> to vector<16xf32>
    %swap3A_104 = vector.shape_cast %scan3A_100#0 : vector<16xf32> to vector<16xf32>
    tpu.vector_store %arg15[%swap3A], %swap3A_104 {strides = array<i32>} : memref<304xf32, #tpu.memory_space<vmem>>, vector<16xf32>,
    %swap3A_105 = arith.constant 16 : index
    %swap3A_106 = tpu.vector_load %arg15[%swap3A_105] {strides = array<i32>} : memref<304xf32, #tpu.memory_space<vmem>>, vector<16xf32>,
    %swap3A_107 = vector.shape_cast %swap3A_106 : vector<16xf32> to vector<16xf32>
    %swap3A_108 = vector.shape_cast %scan3A_100#1 : vector<16xf32> to vector<16xf32>
    tpu.vector_store %arg15[%swap3A_105], %swap3A_108 {strides = array<i32>} : memref<304xf32, #tpu.memory_space<vmem>>, vector<16xf32>,
    %swap3A_109 = arith.constant 32 : index
    %swap3A_110 = tpu.vector_load %arg15[%swap3A_109] {strides = array<i32>} : memref<304xf32, #tpu.memory_space<vmem>>, vector<16xf32>,
    %swap3A_111 = vector.shape_cast %swap3A_110 : vector<16xf32> to vector<16xf32>
    %swap3A_112 = vector.shape_cast %scan3A_100#2 : vector<16xf32> to vector<16xf32>
    tpu.vector_store %arg15[%swap3A_109], %swap3A_112 {strides = array<i32>} : memref<304xf32, #tpu.memory_space<vmem>>, vector<16xf32>,
    %swap3A_113 = arith.constant 48 : index
    %swap3A_114 = tpu.vector_load %arg15[%swap3A_113] {strides = array<i32>} : memref<304xf32, #tpu.memory_space<vmem>>, vector<16xf32>,
    %swap3A_115 = vector.shape_cast %swap3A_114 : vector<16xf32> to vector<16xf32>
    %swap3A_116 = vector.shape_cast %scan3A_100#3 : vector<16xf32> to vector<16xf32>
    tpu.vector_store %arg15[%swap3A_113], %swap3A_116 {strides = array<i32>} : memref<304xf32, #tpu.memory_space<vmem>>, vector<16xf32>,
    %swap3A_117 = arith.constant 64 : index
    %swap3A_118 = tpu.vector_load %arg15[%swap3A_117] {strides = array<i32>} : memref<304xf32, #tpu.memory_space<vmem>>, vector<16xf32>,
    %swap3A_119 = vector.shape_cast %swap3A_118 : vector<16xf32> to vector<16xf32>
    %swap3A_120 = vector.shape_cast %scan3A_100#4 : vector<16xf32> to vector<16xf32>
    tpu.vector_store %arg15[%swap3A_117], %swap3A_120 {strides = array<i32>} : memref<304xf32, #tpu.memory_space<vmem>>, vector<16xf32>,
    %swap3A_121 = arith.constant 80 : index
    %swap3A_122 = tpu.vector_load %arg15[%swap3A_121] {strides = array<i32>} : memref<304xf32, #tpu.memory_space<vmem>>, vector<16xf32>,
    %swap3A_123 = vector.shape_cast %swap3A_122 : vector<16xf32> to vector<16xf32>
    %swap3A_124 = vector.shape_cast %scan3A_100#5 : vector<16xf32> to vector<16xf32>
    tpu.vector_store %arg15[%swap3A_121], %swap3A_124 {strides = array<i32>} : memref<304xf32, #tpu.memory_space<vmem>>, vector<16xf32>,
    %swap3A_125 = arith.constant 96 : index
    %swap3A_126 = tpu.vector_load %arg15[%swap3A_125] {strides = array<i32>} : memref<304xf32, #tpu.memory_space<vmem>>, vector<16xf32>,
    %swap3A_127 = vector.shape_cast %swap3A_126 : vector<16xf32> to vector<16xf32>
    %swap3A_128 = vector.shape_cast %scan3A_100#6 : vector<16xf32> to vector<16xf32>
    tpu.vector_store %arg15[%swap3A_125], %swap3A_128 {strides = array<i32>} : memref<304xf32, #tpu.memory_space<vmem>>, vector<16xf32>,
    %swap3A_129 = arith.constant 112 : index
    %swap3A_130 = tpu.vector_load %arg15[%swap3A_129] {strides = array<i32>} : memref<304xf32, #tpu.memory_space<vmem>>, vector<16xf32>,
    %swap3A_131 = vector.shape_cast %swap3A_130 : vector<16xf32> to vector<16xf32>
    %swap3A_132 = vector.shape_cast %scan3A_100#7 : vector<16xf32> to vector<16xf32>
    tpu.vector_store %arg15[%swap3A_129], %swap3A_132 {strides = array<i32>} : memref<304xf32, #tpu.memory_space<vmem>>, vector<16xf32>,
    %swap3A_133 = arith.constant 128 : index
    %swap3A_134 = tpu.vector_load %arg15[%swap3A_133] {strides = array<i32>} : memref<304xf32, #tpu.memory_space<vmem>>, vector<16xf32>,
    %swap3A_135 = vector.shape_cast %swap3A_134 : vector<16xf32> to vector<16xf32>
    %swap3A_136 = vector.shape_cast %scan3A_100#8 : vector<16xf32> to vector<16xf32>
    tpu.vector_store %arg15[%swap3A_133], %swap3A_136 {strides = array<i32>} : memref<304xf32, #tpu.memory_space<vmem>>, vector<16xf32>,
    %swap3A_137 = arith.constant 144 : index
    %swap3A_138 = tpu.vector_load %arg15[%swap3A_137] {strides = array<i32>} : memref<304xf32, #tpu.memory_space<vmem>>, vector<16xf32>,
    %swap3A_139 = vector.shape_cast %swap3A_138 : vector<16xf32> to vector<16xf32>
    %swap3A_140 = vector.shape_cast %scan3A_100#9 : vector<16xf32> to vector<16xf32>
    tpu.vector_store %arg15[%swap3A_137], %swap3A_140 {strides = array<i32>} : memref<304xf32, #tpu.memory_space<vmem>>, vector<16xf32>,
    %swap3A_141 = arith.constant 160 : index
    %swap3A_142 = tpu.vector_load %arg15[%swap3A_141] {strides = array<i32>} : memref<304xf32, #tpu.memory_space<vmem>>, vector<16xf32>,
    %swap3A_143 = vector.shape_cast %swap3A_142 : vector<16xf32> to vector<16xf32>
    %swap3A_144 = vector.shape_cast %scan3A_100#10 : vector<16xf32> to vector<16xf32>
    tpu.vector_store %arg15[%swap3A_141], %swap3A_144 {strides = array<i32>} : memref<304xf32, #tpu.memory_space<vmem>>, vector<16xf32>,
    %swap3A_145 = arith.constant 176 : index
    %swap3A_146 = tpu.vector_load %arg15[%swap3A_145] {strides = array<i32>} : memref<304xf32, #tpu.memory_space<vmem>>, vector<16xf32>,
    %swap3A_147 = vector.shape_cast %swap3A_146 : vector<16xf32> to vector<16xf32>
    %swap3A_148 = vector.shape_cast %scan3A_100#11 : vector<16xf32> to vector<16xf32>
    tpu.vector_store %arg15[%swap3A_145], %swap3A_148 {strides = array<i32>} : memref<304xf32, #tpu.memory_space<vmem>>, vector<16xf32>,
    %swap3A_149 = arith.constant 192 : index
    %swap3A_150 = tpu.vector_load %arg15[%swap3A_149] {strides = array<i32>} : memref<304xf32, #tpu.memory_space<vmem>>, vector<16xf32>,
    %swap3A_151 = vector.shape_cast %swap3A_150 : vector<16xf32> to vector<16xf32>
    %swap3A_152 = vector.shape_cast %scan3A_100#12 : vector<16xf32> to vector<16xf32>
    tpu.vector_store %arg15[%swap3A_149], %swap3A_152 {strides = array<i32>} : memref<304xf32, #tpu.memory_space<vmem>>, vector<16xf32>,
    %swap3A_153 = arith.constant 208 : index
    %swap3A_154 = tpu.vector_load %arg15[%swap3A_153] {strides = array<i32>} : memref<304xf32, #tpu.memory_space<vmem>>, vector<16xf32>,
    %swap3A_155 = vector.shape_cast %swap3A_154 : vector<16xf32> to vector<16xf32>
    %swap3A_156 = vector.shape_cast %scan3A_100#13 : vector<16xf32> to vector<16xf32>
    tpu.vector_store %arg15[%swap3A_153], %swap3A_156 {strides = array<i32>} : memref<304xf32, #tpu.memory_space<vmem>>, vector<16xf32>,
    %swap3A_157 = arith.constant 224 : index
    %swap3A_158 = tpu.vector_load %arg15[%swap3A_157] {strides = array<i32>} : memref<304xf32, #tpu.memory_space<vmem>>, vector<16xf32>,
    %swap3A_159 = vector.shape_cast %swap3A_158 : vector<16xf32> to vector<16xf32>
    %swap3A_160 = vector.shape_cast %scan3A_100#14 : vector<16xf32> to vector<16xf32>
    tpu.vector_store %arg15[%swap3A_157], %swap3A_160 {strides = array<i32>} : memref<304xf32, #tpu.memory_space<vmem>>, vector<16xf32>,
    %swap3A_161 = arith.constant 240 : index
    %swap3A_162 = tpu.vector_load %arg15[%swap3A_161] {strides = array<i32>} : memref<304xf32, #tpu.memory_space<vmem>>, vector<16xf32>,
    %swap3A_163 = vector.shape_cast %swap3A_162 : vector<16xf32> to vector<16xf32>
    %swap3A_164 = vector.shape_cast %scan3A_100#15 : vector<16xf32> to vector<16xf32>
    tpu.vector_store %arg15[%swap3A_161], %swap3A_164 {strides = array<i32>} : memref<304xf32, #tpu.memory_space<vmem>>, vector<16xf32>,
    %swap3A_165 = arith.constant 256 : index
    %swap3A_166 = tpu.vector_load %arg15[%swap3A_165] {strides = array<i32>} : memref<304xf32, #tpu.memory_space<vmem>>, vector<16xf32>,
    %swap3A_167 = vector.shape_cast %swap3A_166 : vector<16xf32> to vector<16xf32>
    %swap3A_168 = vector.shape_cast %scan3A_100#16 : vector<16xf32> to vector<16xf32>
    tpu.vector_store %arg15[%swap3A_165], %swap3A_168 {strides = array<i32>} : memref<304xf32, #tpu.memory_space<vmem>>, vector<16xf32>,
    %swap3A_169 = arith.constant 272 : index
    %swap3A_170 = tpu.vector_load %arg15[%swap3A_169] {strides = array<i32>} : memref<304xf32, #tpu.memory_space<vmem>>, vector<16xf32>,
    %swap3A_171 = vector.shape_cast %swap3A_170 : vector<16xf32> to vector<16xf32>
    %swap3A_172 = vector.shape_cast %scan3A_100#17 : vector<16xf32> to vector<16xf32>
    tpu.vector_store %arg15[%swap3A_169], %swap3A_172 {strides = array<i32>} : memref<304xf32, #tpu.memory_space<vmem>>, vector<16xf32>,
    %swap3A_173 = arith.constant 288 : index
    %swap3A_174 = tpu.vector_load %arg15[%swap3A_173] {strides = array<i32>} : memref<304xf32, #tpu.memory_space<vmem>>, vector<16xf32>,
    %swap3A_175 = vector.shape_cast %swap3A_174 : vector<16xf32> to vector<16xf32>
    %swap3A_176 = vector.shape_cast %scan3A_100#18 : vector<16xf32> to vector<16xf32>
    tpu.vector_store %arg15[%swap3A_173], %swap3A_176 {strides = array<i32>} : memref<304xf32, #tpu.memory_space<vmem>>, vector<16xf32>,
    "tpu.region"() ({
      %run_scoped3A = tpu.sem_alloc : memref<!tpu.dma_semaphore, #tpu.memory_space<semaphore_mem>>
      %dma_start3A = arith.constant 0 : i32
      %dma_start3A_177 = tpu.memref_slice %arg8[%arg0, %arg1, %dma_start3A] : memref<2x16x304xf32, #tpu.memory_space<hbm>> -> memref<1x1x304xf32, #tpu.memory_space<hbm>>
      %dma_start3A_178 = tpu.memref_squeeze %dma_start3A_177 : memref<1x1x304xf32, #tpu.memory_space<hbm>> -> memref<304xf32, #tpu.memory_space<hbm>>
      %dma_start3A_179 = arith.constant 0 : i32
      %dma_start3A_180 = tpu.memref_slice %arg8[%arg0, %arg1, %dma_start3A_179] : memref<2x16x304xf32, #tpu.memory_space<hbm>> -> memref<1x1x304xf32, #tpu.memory_space<hbm>>
      %dma_start3A_181 = tpu.memref_squeeze %dma_start3A_180 : memref<1x1x304xf32, #tpu.memory_space<hbm>> -> memref<304xf32, #tpu.memory_space<hbm>>
      tpu.enqueue_dma source(%arg15 : memref<304xf32, #tpu.memory_space<vmem>>) target(%dma_start3A_181 : memref<304xf32, #tpu.memory_space<hbm>>) target_semaphore(%run_scoped3A : memref<!tpu.dma_semaphore, #tpu.memory_space<semaphore_mem>>)
      %dma_wait3A = arith.constant 0 : i32
      %dma_wait3A_182 = tpu.memref_slice %arg8[%arg0, %arg1, %dma_wait3A] : memref<2x16x304xf32, #tpu.memory_space<hbm>> -> memref<1x1x304xf32, #tpu.memory_space<hbm>>
      %dma_wait3A_183 = tpu.memref_squeeze %dma_wait3A_182 : memref<1x1x304xf32, #tpu.memory_space<hbm>> -> memref<304xf32, #tpu.memory_space<hbm>>
      %dma_wait3A_184 = arith.constant 0 : i32
      %dma_wait3A_185 = tpu.memref_slice %arg8[%arg0, %arg1, %dma_wait3A_184] : memref<2x16x304xf32, #tpu.memory_space<hbm>> -> memref<1x1x304xf32, #tpu.memory_space<hbm>>
      %dma_wait3A_186 = tpu.memref_squeeze %dma_wait3A_185 : memref<1x1x304xf32, #tpu.memory_space<hbm>> -> memref<304xf32, #tpu.memory_space<hbm>>
      tpu.wait_dma2 semaphore(%run_scoped3A : memref<!tpu.dma_semaphore, #tpu.memory_space<semaphore_mem>>) src(%arg15 : memref<304xf32, #tpu.memory_space<vmem>>) dst(%dma_wait3A_186 : memref<304xf32, #tpu.memory_space<hbm>>)
      tpu.yield
    }) : () -> ()
    return
  }
}

</mosaic_0001>

<sc_bundles>
// kernel: _sc_encode.3.cloned.1.call-start
scs
__scs_entry_jumppad:
0x0: {  	(pc) =	sbr.rel $0x88, $3  }
0x1: {  	(tag) =	ssettag $0x0;
	lr =	simm.s32 $0x1  }
0x2: {  	[smem:$0x3F9B] =	sst lr;
	_ =	strace $0xD0000000  }
0x3: {  	_ = 	snop  }
0x4: {  	_ = 	snop  }
0x5: {  	_ = 	snop  }
0x6: {  	_ = 	snop  }
0x7: {  	_ = 	snop  }
__scs_overlays_trampoline_lowered:
0x8: {  	[smem:$0x3FAA] =	sst s0  }
0x9: {  	[smem:$0x3FAB] =	sst s1  }
0xa: {  	[smem:$0x3FAC] =	sst s2  }
0xb: {  	[smem:$0x3FAD] =	sst s3  }
0xc: {  	[smem:$0x3FAE] =	sst s4  }
0xd: {  	[smem:$0x3FAF] =	sst s5  }
0xe: {  	[smem:$0x3FB0] =	sst s6  }
0xf: {  	[smem:$0x3FB1] =	sst s7  }
0x10: {  	[smem:$0x3FB2] =	sst s8  }
0x11: {  	[smem:$0x3FB3] =	sst s9;
	s0 =	simm.s32 @!p0 $0x0  }
0x12: {  	s1 =	sld [smem:$0x3F99];
	s0 =	simm.s32 @p0 $0x1  }
0x13: {  	[smem:$0x3FB4] =	sst s0;
	s0 =	simm.s32 @!p1 $0x0  }
0x14: {  	s2 =	sld [smem:$0x3F98];
	s0 =	simm.s32 @p1 $0x1  }
0x15: {  	[smem:$0x3FB5] =	sst s0;
	s0 =	simm.s32 @!p2 $0x0  }
0x16: {  	s3 =	sld [smem:$0x3FDB];
	s0 =	simm.s32 @p2 $0x1  }
0x17: {  	s4 =	simm.s32 $0x1BF5;
	[smem:$0x3FB7] =	sst s0  }
0x18: {  	s0 =	sld [smem:$0x3F9A];
	_ =	swait.ge [sflag:s4], $0x0  }
0x19: {  	s7 =	sld [smem:$0x3F9B]  }
0x1a: {  	s8 =	sadd.s32 $0xFFFFE003, lr  }
0x1b: {  	s9 =	sadd.s32 $0xFFFFFEF7, lr;
	s5 =	simm.s32 $0xFFFFFFFF;
	p2 =	slt.u32 s8, $0xFFFFF086  }
0x1c: {  	p1 =	slt.u32 s9, $0xF7A;
	s5 =	simm.s32 @!p2 $0x0  }
0x1d: {  	s5 =	simm.s32 @p1 $0x1;
	p0 =	seq.s32 s7, s2  }
0x1e: {  	s7 =	smul.u32 @!p0 $0xF7A, s2;
	p2 =	seq.s32 @!p0 s5, $0x0  }
0x1f: {  	s9 =	smul.u32 $0xF7A, s1;
	s8 =	simm.s32 @!p0 $0x1BF5;
	p2 =	por !p2, p0  }
0x20: {  	[sflag:s8] =	ssyncset.s32 @!p0 $0xFFFFF086;
	s6 =	sadd.s32 @!p0 s3, s7;
	s7 =	simm.s32 @!p0 $0x108  }
0x21: {  	s3 =	sadd.s32 s3, s9;
	s6 =	sadd.s32 @!p0 $0x88, s6;
	s7 =	simm.s32 @p2 $0x1082  }
0x22: {  	[simem:s7], [sflag:s8] =	dma.local @!p0 [hbm:s6], $0xF7A  }
0x23: {  	s9 =	sor.u32 $0xD0000000, s2;
	s6 =	simm.s32 $0x108;
	_ =	swait.ge @!p0 [sflag:s8], $0x0  }
0x24: {  	s3 =	sadd.s32 $0x88, s3;
	s6 =	simm.s32 @!p1 $0x1082;
	[sflag:s4] =	ssyncset.s32 $0xFFFFF086  }
0x25: {  	[simem:s6], [sflag:s4] =	dma.local [hbm:s3], $0xF7A  }
0x26: {  	[smem:$0x3F9B] =	sst s1;
	(tag) =	ssettag s2;
	_ =	strace s9  }
0x27: {  	s1 =	sld [smem:$0x3FAB]  }
0x28: {  	s2 =	sld [smem:$0x3FAC]  }
0x29: {  	s4 =	sld [smem:$0x3FAE]  }
0x2a: {  	p0 =	seq.s32 s5, $0x0;
	s5 =	sld [smem:$0x3FAF]  }
0x2b: {  	s6 =	sld [smem:$0x3FB0]  }
0x2c: {  	s7 =	sld [smem:$0x3FB1]  }
0x2d: {  	s3 =	simm.s32 $0x108;
	s8 =	sld [smem:$0x3FB2]  }
0x2e: {  	s3 =	simm.s32 @!p0 $0x1082;
	s9 =	sld [smem:$0x3FB3]  }
0x2f: {  	lr =	sadd.s32 s0, s3;
	s0 =	sld [smem:$0x3FAA]  }
0x30: {  	s3 =	sld [smem:$0x3FAD]  }
0x31: {  	[smem:$0x3FB6] =	sst s10  }
0x32: {  	s10 =	sld [smem:$0x3FB4];
	_ =	sdelay $0x3  }
0x33: {  	p0 =	seq.s32 s10, $0x1;
	s10 =	sld [smem:$0x3FB6];
	_ =	sdelay $0x3  }
0x34: {  	[smem:$0x3FB6] =	sst s10  }
0x35: {  	s10 =	sld [smem:$0x3FB5];
	_ =	sdelay $0x3  }
0x36: {  	p1 =	seq.s32 s10, $0x1;
	s10 =	sld [smem:$0x3FB6];
	_ =	sdelay $0x3  }
0x37: {  	[smem:$0x3FB6] =	sst s10  }
0x38: {  	s10 =	sld [smem:$0x3FB7]  }
0x39: {  	_ = 	snop;
	(pc) =	sbr.ind lr, $3  }
0x3a: {  	_ = 	snop  }
0x3b: {  	_ = 	snop  }
0x3c: {  	p2 =	seq.s32 s10, $0x1;
	s10 =	sld [smem:$0x3FB6]  }
0x3d: {  	_ =	shalt  }
0x3e: {  	_ =	shalt  }
0x3f: {  	_ =	shalt  }
0x40: {  	_ =	shalt  }
0x41: {  	_ =	shalt  }
0x42: {  	_ =	shalt  }
0x43: {  	_ =	shalt  }
0x44: {  	_ =	shalt  }
0x45: {  	_ =	shalt  }
0x46: {  	_ =	shalt  }
0x47: {  	_ =	shalt  }
0x48: {  	_ =	shalt  }
0x49: {  	_ =	shalt  }
0x4a: {  	_ =	shalt  }
0x4b: {  	_ =	shalt  }
0x4c: {  	_ =	shalt  }
0x4d: {  	_ =	shalt  }
0x4e: {  	_ =	shalt  }
0x4f: {  	_ =	shalt  }
0x50: {  	_ =	shalt  }
0x51: {  	_ =	shalt  }
0x52: {  	_ =	shalt  }
0x53: {  	_ =	shalt  }
0x54: {  	_ =	shalt  }
0x55: {  	_ =	shalt  }
0x56: {  	_ =	shalt  }
0x57: {  	_ =	shalt  }
0x58: {  	_ =	shalt  }
0x59: {  	_ =	shalt  }
0x5a: {  	_ =	shalt  }
0x5b: {  	_ =	shalt  }
0x5c: {  	_ =	shalt  }
0x5d: {  	_ =	shalt  }
0x5e: {  	_ =	shalt  }
0x5f: {  	_ =	shalt  }
0x60: {  	_ =	shalt  }
0x61: {  	_ =	shalt  }
0x62: {  	_ =	shalt  }
0x63: {  	_ =	shalt  }
0x64: {  	_ =	shalt  }
0x65: {  	_ =	shalt  }
0x66: {  	_ =	shalt  }
0x67: {  	_ =	shalt  }
0x68: {  	_ =	shalt  }
0x69: {  	_ =	shalt  }
0x6a: {  	_ =	shalt  }
0x6b: {  	_ =	shalt  }
0x6c: {  	_ =	shalt  }
0x6d: {  	_ =	shalt  }
0x6e: {  	_ =	shalt  }
0x6f: {  	_ =	shalt  }
0x70: {  	_ =	shalt  }
0x71: {  	_ =	shalt  }
0x72: {  	_ =	shalt  }
0x73: {  	_ =	shalt  }
0x74: {  	_ =	shalt  }
0x75: {  	_ =	shalt  }
0x76: {  	_ =	shalt  }
0x77: {  	_ =	shalt  }
0x78: {  	_ =	shalt  }
0x79: {  	_ =	shalt  }
0x7a: {  	_ =	shalt  }
0x7b: {  	_ =	shalt  }
0x7c: {  	_ =	shalt  }
0x7d: {  	_ =	shalt  }
0x7e: {  	_ =	shalt  }
0x7f: {  	_ =	shalt  }
0x80: {  	_ =	shalt  }
0x81: {  	_ =	shalt  }
0x82: {  	_ =	shalt  }
0x83: {  	_ =	shalt  }
0x84: {  	_ =	shalt  }
0x85: {  	_ =	shalt  }
0x86: {  	_ =	shalt  }
0x87: {  	_ =	shalt  }
.Lfunc_end0:
.L_simem_size_0:
called_computation_lowered:
.L_overlay_start_0:
0x88: {  	s2 =	sld [smem:$0x3FD9]  }
0x89: {  	s3 =	sld [smem:$0x3FFE];
	_ =	sdelay $0x1  }
0x8a: {  	s1 =	srdreg.scid  }
0x8b: {  	s0 =	sand.u32 $0x1, s1  }
0x8c: {  	s17 =	sshll.u32 s0, $0xA;
	s2 =	sadd.s32 s3, s2  }
0x8d: {  	s2 =	sadd.s32 s2, s17  }
0x8e: {  	[smem:$0x3FC2] =	sst s2  }
0x8f: {  	_ = 	snop  }
0x90: {  	s2 =	sld [smem:$0x3FD0];
	(tm) =	ssettm $0x1  }
0x91: {  	s18 =	sld [smem:$0x3FFB];
	_ =	sdelay $0x3  }
0x92: {  	_ =	strace s18  }
0x93: {  	s3 =	sld [smem:$0x3FFC];
	_ =	sdelay $0x3  }
0x94: {  	_ =	strace s3  }
0x95: {  	s3 =	sld [smem:$0x3FFD];
	_ =	sdelay $0x3  }
0x96: {  	_ =	strace s3  }
0x97: {  	_ =	strace $0x8FFFFFFF  }
0x98: {  	s19 =	sld [smem:$0x3FDB];
	_ =	sdelay $0x1  }
0x99: {  	s4 =	simm.s32 $_scs_section_size  }
0x9a: {  	s5 =	simm.s32 $_size__tile_overlayer_lowered;
	s6 =	simm.s32 $_tile_overlayer_lowered  }
0x9b: {  	s22 =	simm.s32 $0x1BFF;
	s21 =	sshll.u32 s6, $0x1;
	s3 =	sadd.s32 s4, s19  }
0x9c: {  	s7 =	simm.s32 $0x0;
	s20 =	sshll.u32 s5, $0x1;
	s5 =	sadd.s32 s21, s3  }
0x9d: {  	[timem:s7], [sflag:s22] =	dma.local [hbm:s5], s20  }
0x9e: {  	_ =	swait.ge [sflag:s22], s20  }
0x9f: {  	s4 =	ssub.s32 $0x0, s20;
	[sflag:s22] =	ssyncset.done $0x0  }
0xa0: {  	[sflag:s22] =	ssyncadd.s32 s4;
	_ =	sdelay $0x1  }
0xa1: {  	s23 =	simm.s32 $0x1B8B  }
0xa2: {  	_ =	swait.ge [sflag:s23], $0x1  }
0xa3: {  	[sflag:s23] =	ssyncset.done $0x0  }
0xa4: {  	s25 =	simm.s32 $0x1B8E;
	s24 =	sld [smem:$0x3FFE];
	[sflag:s23] =	ssyncadd.s32 $0xFFFFFFFF  }
0xa5: {  	s26 =	simm.s32 $execute0_lowered;
	[smem:$0x3FD2] =	sst s25  }
0xa6: {  	s5 =	sshll.u32 s26, $0x1;
	_ =	strace $0x80000046;
	[dreg:$0x1] =	wrdreg $0xFFFFFFFF  }
0xa7: {  	s28 =	simm.s32 $_size_execute0_lowered;
	s3 =	sadd.s32 s3, s5;
	[dreg:$0x0] =	wrdreg $0x0  }
0xa8: {  	s5 =	sshll.u32 s28, $0x1;
	[dreg:$0x2] =	wrdreg s3  }
0xa9: {  	[dreg:$0x3] =	wrdreg s5  }
0xaa: {  	[dreg:$0x4] =	wrdreg $0xC0  }
0xab: {  	_ =	task [dreg:s7], $0x5FFFF  }
0xac: {  	[dreg:$0x1] =	wrdreg $0xFFFFFFFF  }
0xad: {  	[dreg:$0x0] =	wrdreg $0x60  }
0xae: {  	[dreg:$0x2] =	wrdreg s24  }
0xaf: {  	[dreg:$0x3] =	wrdreg s2  }
0xb0: {  	[dreg:$0x4] =	wrdreg $0x81300  }
0xb1: {  	[dreg:$0x5] =	wrdreg $0x1B1300  }
0xb2: {  	[dreg:$0x6] =	wrdreg $0x9  }
0xb3: {  	_ =	task.clear_ibuf [dreg:s7], $0x7FFFF;
	_ =	strace $0x90000046  }
0xb4: {  	s29 =	simm.s32 $0x9;
	_ =	strace $0x80000048  }
0xb5: {  	_ =	swait.ge [sflag:s29], $0x1  }
0xb6: {  	[sflag:s29] =	ssyncadd.s32 $0xFFFFFFFF  }
0xb7: {  	_ =	strace $0x90000048  }
0xb8: {  	_ =	sfence  }
0xb9: {  	s30 =	sld [smem:$0x0];
	_ =	sdelay $0x2  }
0xba: {  	s31 =	sshll.u32 s1, $0xD;
	s1 =	sshrl.u32 s1, $0x2  }
0xbb: {  	s3 =	sand.u32 $0x4000, s31;
	s1 =	sadd.s32 s1, s30  }
0xbc: {  	s0 =	sor.u32 s3, s0;
	s1 =	sshll.u32 s1, $0x11  }
0xbd: {  	s0 =	sor.u32 s1, s0  }
0xbe: {  	s0 =	sadd.s32 $0x8F2B, s0  }
0xbf: {  	[sflag:s0] =	ssyncadd.remote.s32 $0x1  }
0xc0: {  	_ =	sfence.sel $0xFFFF  }
0xc1: {  	[dreg:$0x0] =	wrdreg $0xFFFFFFFF;
	(pc) =	sbr.abs _section_cstart, $3  }
0xc2: {  	[dreg:$0x1] =	wrdreg $0xFFFFFFFF  }
0xc3: {  	_ =	task.clear_ibuf [dreg:s7], $0x2FFFF;
	_ =	strace $0x9FFFFFFF  }
0xc4: {  	(tm) =	ssettm $0x7FFFFFFF  }
0xc5: {  	_ =	shalt  }
tec
execute0_lowered:
.L_overlay_start_1:
0x0: {  	(tag) =	ssettag $0x1  }
0x1: {  	s0 =	rddreg [dreg:$0x0]  }
0x2: {  	s2 =	rddreg [dreg:$0x2]  }
0x3: {  	s3 =	rddreg [dreg:$0x3]  }
0x4: {  	s5 =	simm.s32 $0x0;
	s1 =	srdreg.scid;
	s20 =	stileid.u32  }
0x5: {  	s19 =	simm.s32 $0x2;
	s22 =	simm.s32 $0x6C00;
	s28 =	simm.s32 $0x2000  }
0x6: {  	s29 =	simm.s32 $0x1;
	s30 =	simm.s32 $0x7000;
	s31 =	simm.s32 $0x8000  }
0x7: {  	[smem:$0x7FF] =	sst s5;
	s1 =	sand.u32 $0x1, s1;
	s6 =	sshll.u32 s20, $0x8  }
0x8: {  	s9 =	smul.u32 $0x130, s20;
	s12 =	sadd.s32 $0xE00, s0;
	s7 =	sadd.s32 $0x7400, s0  }
0x9: {  	s13 =	smul.u32 $0x4C000, s20;
	s24 =	sshll.u32 s20, $0x9;
	s25 =	sshll.u32 s20, $0xC  }
0xa: {  	s26 =	sshll.u32 s20, $0x6;
	s4 =	sshll.u32 s1, $0xC;
	s8 =	smul.u32 $0x1300, s1  }
0xb: {  	_ =	strace $0x80000047;
	s1 =	ssub.s32 $0x2, s1;
	s4 =	sor.u32 s6, s4  }
0xc: {  	s6 =	sadd.s32 $0x494C00, s0;
	s11 =	sshrl.u32 s1, $0x1;
	s23 =	sshrl.u32 s13, $0x2  }
0xd: {  	s13 =	sadd.s32 s25, s3;
	s10 =	sadd.s32 s4, s0;
	s8 =	sadd.s32 s9, s8  }
0xe: {  	s1 =	ssub.s32 s1, s11;
	s11 =	sadd.s32 s23, s2;
	s23 =	sor.u32 $0x1C02, s26  }
0xf: {  	s25 =	sshrl.u32 s13, $0x3;
	s26 =	simm.s32 $0x40;
	s9 =	sshrl.u32 s8, $0x3  }
0x10: {  	s8 =	sadd.s32 $0x4E00, s0;
	s14 =	sadd.s32 $0x4C00, s11;
	s15 =	sadd.s32 $0x9800, s11  }
0x11: {  	s16 =	sadd.s32 $0xE400, s11;
	s18 =	smax.u32 s1, $0x1;
	s0 =	sadd.s32 s9, s0  }
0x12: {  	s9 =	sadd.s32 $0x2E00, s10;
	s10 =	sadd.s32 s12, s4;
	s12 =	sadd.s32 s12, s24  }
0x13: {  	s24 =	sshrl.u32 s11, $0x3;
	s17 =	sadd.s32 $0x7600, s0;
	s0 =	simm.s32 $0x0  }
.LBB2_1:
0x14: {  	[tilespmem:s5], [sflag:$0x2] =	stream.linear.gather [hbm4b:s9+s5], $0x800, $0x38;
	[tilespmem:$0x1C130] =	vst v63  }
0x15: {  	_ =	swait.ge [sflag:s19], $0x800  }
0x16: {  	[sflag:s19] =	ssyncset.done $0x0  }
0x17: {  	s1 =	simm.s32 $0x800;
	[sflag:s19] =	ssyncadd.s32 $0xFFFFF800  }
0x18: {  	[tilespmem:s1], [sflag:$0x2] =	stream.linear.gather [hbm4b:s10+s5], $0x800, $0x38;
	[tilespmem:$0x1C130] =	vst v63  }
0x19: {  	_ =	swait.ge [sflag:s19], $0x800  }
0x1a: {  	[sflag:s19] =	ssyncset.done $0x0  }
0x1b: {  	s4 =	simm.s32 $0x1000;
	[sflag:s19] =	ssyncadd.s32 $0xFFFFF800  }
0x1c: {  	[tilespmem:s4], [sflag:$0x2] =	stream.linear.gather [hbm4b:s12+s5], $0x1000, $0x38;
	[tilespmem:$0x1C130] =	vst v63  }
0x1d: {  	_ =	swait.ge [sflag:s19], $0x1000  }
0x1e: {  	[sflag:s19] =	ssyncset.done $0x0  }
0x1f: {  	[sflag:s19] =	ssyncadd.s32 $0xFFFFF000  }
0x20: {  	[tilespmem:s22], [sflag:$0x2] =	stream.linear.gather [hbm4b:s7+s5], $0x400, $0x38;
	[tilespmem:$0x1C130] =	vst v63  }
0x21: {  	_ =	swait.ge [sflag:s19], $0x400  }
0x22: {  	[sflag:s19] =	ssyncset.done $0x0  }
0x23: {  	[sflag:s19] =	ssyncadd.s32 $0xFFFFFC00  }
0x24: {  	[spmem:s24], [sflag:s23] =	dma.local [hbm:s8], $0x2600  }
0x25: {  	_ =	swait.ge [sflag:s19], $0x2600  }
0x26: {  	[sflag:s19] =	ssyncset.done $0x0  }
0x27: {  	[sflag:s19] =	ssyncadd.s32 $0xFFFFDA00  }
0x28: {  	s20 =	rddreg [dreg:$0x1]  }
0x29: {  	[spmem:s25], [sflag:s23] =	dma.local [hbm:s20], $0x200  }
0x2a: {  	_ =	swait.ge [sflag:s19], $0x200  }
0x2b: {  	[sflag:s19] =	ssyncset.done $0x0  }
0x2c: {  	[sflag:s19] =	ssyncadd.s32 $0xFFFFFE00  }
0x2d: {  	s21 =	simm.s32 $0x1000;
	[bflag:$0x0] =	sbarrier.arrive $0xFFFF  }
0x2e: {  	[spmem:s3] =	stream.indirect.scatter.add.f32 [tilespmem:s22], [sflag:$0x2], $0x10, s21, s26, $0xb8;
	[tilespmem:$0x1C130] =	vst v63  }
0x2f: {  	s1 =	simm.s32 $0x100;
	_ =	swait.ge [sflag:s19], $0x400  }
.LBB2_2:
0x30: {  	s4 =	sshra.s32 s1, $0x2;
	[sflag:s19] =	ssyncset.done $0x0;
	p0 =	sne.s32 s1, $0x3F00  }
.Ltmp0:
0x31: {  	s4 =	sadd.s32 $0x1000, s4;
	[sflag:s19] =	ssyncadd.s32 $0xFFFFFC00;
	(pc) =	sbr.rel @p0 .LBB2_2-.Ltmp0, $3  }
0x32: {  	[spmem:s3] =	stream.indirect.scatter.add.f32 [tilespmem:s22], [sflag:$0x2], $0x10, s4, s26, $0xb8;
	[tilespmem:$0x1C130] =	vst v63  }
0x33: {  	s1 =	sadd.s32 $0x100, s1;
	_ =	sdelay $0x1  }
0x34: {  	_ =	swait.ge [sflag:s19], $0x400  }
0x35: {  	[sflag:s19] =	ssyncset.done $0x0  }
0x36: {  	s1 =	simm.s32 $0x0;
	[sflag:s19] =	ssyncadd.s32 $0xFFFFFC00  }
0x37: {  	[tilespmem:s28], [sflag:$0x1] =	stream.indirect.gather [hbm4b:s6+s26], $0x130, s1, s26, $0xb8;
	[tilespmem:$0x1C130] =	vst v63  }
0x38: {  	_ =	swait.ge [sflag:s29], $0x4C00  }
0x39: {  	[sflag:s29] =	ssyncset.done $0x0  }
0x3a: {  	s21 =	simm.s32 $0x800;
	[sflag:s29] =	ssyncadd.s32 $0xFFFFB400  }
0x3b: {  	[spmem:s2] =	stream.indirect.scatter.add.f32 [tilespmem:s28], [sflag:$0x2], $0x130, s21, s26, $0xb8;
	[tilespmem:$0x1C130] =	vst v63  }
0x3c: {  	_ =	swait.ge [sflag:s19], $0x4C00  }
0x3d: {  	s4 =	simm.s32 $0x200;
	s1 =	simm.s32 $0x100;
	[sflag:s19] =	ssyncset.done $0x0  }
.LBB2_4:
0x3e: {  	s20 =	sshra.s32 s1, $0x2  }
0x3f: {  	[sflag:s19] =	ssyncadd.s32 $0xFFFFB400;
	s1 =	smov.u32 s4;
	s21 =	sadd.s32 $0x100, s4  }
0x40: {  	[tilespmem:s28], [sflag:$0x1] =	stream.indirect.gather [hbm4b:s6+s26], $0x130, s20, s26, $0xb8;
	[tilespmem:$0x1C130] =	vst v63  }
0x41: {  	p0 =	sne.s32 s4, $0x1F00;
	_ =	swait.ge [sflag:s29], $0x4C00  }
.Ltmp1:
0x42: {  	[sflag:s29] =	ssyncset.done $0x0;
	(pc) =	sbr.rel @p0 .LBB2_4-.Ltmp1, $4  }
0x43: {  	s4 =	sadd.s32 $0x800, s20;
	[sflag:s29] =	ssyncadd.s32 $0xFFFFB400  }
0x44: {  	[spmem:s2] =	stream.indirect.scatter.add.f32 [tilespmem:s28], [sflag:$0x2], $0x130, s4, s26, $0xb8;
	[tilespmem:$0x1C130] =	vst v63  }
0x45: {  	_ =	swait.ge [sflag:s19], $0x4C00  }
0x46: {  	s4 =	smov.u32 s21;
	[sflag:s19] =	ssyncset.done $0x0  }
0x47: {  	s1 =	sshra.s32 s1, $0x2;
	[sflag:s19] =	ssyncadd.s32 $0xFFFFB400  }
0x48: {  	[tilespmem:s28], [sflag:$0x1] =	stream.indirect.gather [hbm4b:s6+s26], $0x130, s1, s26, $0xb8;
	[tilespmem:$0x1C130] =	vst v63  }
0x49: {  	_ =	swait.ge [sflag:s29], $0x4C00  }
0x4a: {  	[sflag:s29] =	ssyncset.done $0x0  }
0x4b: {  	s1 =	sadd.s32 $0x800, s1;
	[sflag:s29] =	ssyncadd.s32 $0xFFFFB400  }
0x4c: {  	[spmem:s2] =	stream.indirect.scatter.add.f32 [tilespmem:s28], [sflag:$0x2], $0x130, s1, s26, $0xb8;
	[tilespmem:$0x1C130] =	vst v63  }
0x4d: {  	_ =	swait.ge [sflag:s19], $0x4C00  }
0x4e: {  	[sflag:s19] =	ssyncset.done $0x0  }
0x4f: {  	[sflag:s19] =	ssyncadd.s32 $0xFFFFB400  }
0x50: {  	[bflag:$0x0] =	sbarrier.arrive $0xFFFF  }
0x51: {  	[tilespmem:s30], [sflag:$0x2] =	stream.linear.gather [spmem:s13], $0x1000, $0x38;
	[tilespmem:$0x1C130] =	vst v63  }
0x52: {  	_ =	swait.ge [sflag:s19], $0x1000  }
0x53: {  	[sflag:s19] =	ssyncset.done $0x0  }
0x54: {  	[sflag:s19] =	ssyncadd.s32 $0xFFFFF000  }
0x55: {  	[tilespmem:s28], [sflag:$0x2] =	stream.linear.gather [spmem:s11], $0x4C00, $0x38;
	[tilespmem:$0x1C130] =	vst v63  }
0x56: {  	_ =	swait.ge [sflag:s19], $0x4C00  }
0x57: {  	[sflag:s19] =	ssyncset.done $0x0  }
0x58: {  	s21 =	simm.s32 $0x0;
	[sflag:s19] =	ssyncadd.s32 $0xFFFFB400  }
0x59: {  	v0 =	vld [tilespmem:s21+$0x7000];
	_ =	sdelay $0x4  }
0x5a: {  	v0 =	vmax.f32 v0, $1.000000000e+00  }
0x5b: {  	v0 =	vmul.f32 $2.560000000e+02, v0;
	_ =	sdelay $0x1  }
0x5c: {  	(erf) = vrcp.f32 v0;
	_ =	sdelay $0x3  }
0x5d: {  	s4 =	simm.s32 $0x2090  }
0x5e: {  	v18 =	vimm.f32 $0.0e+00;
	v19 =	vimm.f32 $0.0e+00;
	v17 =	vimm.f32 $0.0e+00;
	v1 =	vld [tilespmem:s4+$0x90]  }
0x5f: {  	v15 =	vimm.f32 $0.0e+00;
	v16 =	vimm.f32 $0.0e+00;
	v13 =	vimm.f32 $0.0e+00;
	v2 =	vld [tilespmem:s4+$0xFFFFFF70]  }
0x60: {  	v14 =	vimm.f32 $0.0e+00;
	v12 =	vimm.f32 $0.0e+00;
	v11 =	vimm.f32 $0.0e+00;
	v20 =	vld [tilespmem:s4+$0xFFFFFF80]  }
0x61: {  	v9 =	vimm.f32 $0.0e+00;
	v10 =	vimm.f32 $0.0e+00;
	v7 =	vimm.f32 $0.0e+00;
	v21 =	vld [tilespmem:s4+$0xFFFFFF90]  }
0x62: {  	v8 =	vimm.f32 $0.0e+00;
	v6 =	vimm.f32 $0.0e+00;
	v5 =	vimm.f32 $0.0e+00;
	v22 =	vld [tilespmem:s4+$0xFFFFFFA0];
	v0 =	vpop (erf)  }
0x63: {  	v3 =	vimm.f32 $0.0e+00;
	v4 =	vimm.f32 $0.0e+00;
	v23 =	vld [tilespmem:s4+$0xFFFFFFB0];
	v24 =	vmul.f32 v1, v0  }
0x64: {  	s20 =	simm.s32 $0x10;
	s1 =	simm.s32 $0x80;
	v26 =	vld [tilespmem:s4+$0xFFFFFFC0];
	v25 =	vmul.f32 v0, v2;
	v2 =	vimm.f32 $0.0e+00;
	v1 =	vimm.f32 $0.0e+00  }
.LBB2_6:
0x65: {  	p0 =	sne.s32 s1, $0xFC0;
	v27 =	vld [tilespmem:s20+$0x7000];
	v20 =	vmul.f32 v0, v20;
	v18 =	vadd.f32 v24, v18  }
0x66: {  	v19 =	vadd.f32 v25, v19;
	v21 =	vmul.f32 v21, v0;
	v24 =	vld [tilespmem:s4+$0xFFFFFFD0]  }
0x67: {  	v17 =	vadd.f32 v20, v17;
	v20 =	vmul.f32 v22, v0;
	v22 =	vld [tilespmem:s4+$0xFFFFFFE0]  }
0x68: {  	v15 =	vadd.f32 v21, v15;
	v21 =	vmul.f32 v23, v0;
	v23 =	vld [tilespmem:s4+$0xFFFFFFF0]  }
0x69: {  	v16 =	vadd.f32 v20, v16;
	v20 =	vmul.f32 v26, v0;
	v25 =	vld [tilespmem:s4+$0x0]  }
0x6a: {  	v26 =	vmax.f32 v27, $1.000000000e+00;
	v13 =	vadd.f32 v21, v13;
	v21 =	vld [tilespmem:s4+$0x10]  }
0x6b: {  	v26 =	vmul.f32 $2.560000000e+02, v26;
	v14 =	vadd.f32 v20, v14;
	v20 =	vmul.f32 v24, v0;
	v24 =	vld [tilespmem:s4+$0x20]  }
0x6c: {  	v22 =	vmul.f32 v22, v0;
	v27 =	vld [tilespmem:s4+$0x30]  }
0x6d: {  	(erf) = vrcp.f32 v26;
	v12 =	vadd.f32 v20, v12;
	v20 =	vmul.f32 v23, v0;
	v23 =	vld [tilespmem:s4+$0x40]  }
0x6e: {  	v11 =	vadd.f32 v22, v11;
	v22 =	vmul.f32 v25, v0;
	v25 =	vld [tilespmem:s4+$0x50]  }
0x6f: {  	v9 =	vadd.f32 v20, v9;
	v20 =	vmul.f32 v21, v0;
	v21 =	vld [tilespmem:s4+$0x60]  }
0x70: {  	v10 =	vadd.f32 v22, v10;
	v22 =	vmul.f32 v24, v0;
	v24 =	vld [tilespmem:s4+$0x70]  }
0x71: {  	v7 =	vadd.f32 v20, v7;
	v20 =	vmul.f32 v27, v0;
	v26 =	vld [tilespmem:s4+$0x80];
	s4 =	sadd.s32 $0x130, s4  }
0x72: {  	v27 =	vld [tilespmem:s4+$0x90];
	v8 =	vadd.f32 v22, v8;
	v22 =	vmul.f32 v23, v0  }
0x73: {  	v28 =	vld [tilespmem:s4+$0xFFFFFF70];
	v6 =	vadd.f32 v20, v6;
	v23 =	vmul.f32 v25, v0  }
.Ltmp2:
0x74: {  	v20 =	vld [tilespmem:s4+$0xFFFFFF80];
	v2 =	vadd.f32 v22, v2;
	v25 =	vmul.f32 v21, v0;
	(pc) =	sbr.rel @p0 .LBB2_6-.Ltmp2, $4  }
0x75: {  	v21 =	vld [tilespmem:s4+$0xFFFFFF90];
	v1 =	vadd.f32 v23, v1;
	v29 =	vmul.f32 v24, v0  }
0x76: {  	v22 =	vld [tilespmem:s4+$0xFFFFFFA0];
	v5 =	vadd.f32 v25, v5;
	v30 =	vmul.f32 v26, v0;
	v0 =	vpop (erf)  }
0x77: {  	v23 =	vld [tilespmem:s4+$0xFFFFFFB0];
	v24 =	vmul.f32 v27, v0;
	v3 =	vadd.f32 v29, v3  }
0x78: {  	s20 =	sshra.s32 s1, $0x2;
	s1 =	sadd.s32 $0x40, s1;
	v25 =	vmul.f32 v0, v28;
	v26 =	vld [tilespmem:s4+$0xFFFFFFC0];
	v4 =	vadd.f32 v30, v4  }
0x79: {  	v27 =	vld [tilespmem:s20+$0x7000]  }
0x7a: {  	v28 =	vld [tilespmem:s4+$0xFFFFFFD0]  }
0x7b: {  	v29 =	vld [tilespmem:s4+$0xFFFFFFE0]  }
0x7c: {  	v30 =	vld [tilespmem:s4+$0xFFFFFFF0]  }
0x7d: {  	v31 =	vld [tilespmem:s4+$0x0]  }
0x7e: {  	v32 =	vld [tilespmem:s4+$0x10]  }
0x7f: {  	v33 =	vld [tilespmem:s4+$0x20]  }
0x80: {  	v34 =	vld [tilespmem:s4+$0x30]  }
0x81: {  	v35 =	vld [tilespmem:s4+$0x40]  }
0x82: {  	v36 =	vld [tilespmem:s4+$0x50]  }
0x83: {  	v37 =	vld [tilespmem:s4+$0x60]  }
0x84: {  	v38 =	vld [tilespmem:s4+$0x70]  }
0x85: {  	v39 =	vld [tilespmem:s4+$0x80];
	s1 =	sadd.s32 $0x130, s4  }
0x86: {  	v40 =	vld [tilespmem:s1+$0x90]  }
0x87: {  	v41 =	vld [tilespmem:s1+$0xFFFFFF70]  }
0x88: {  	v42 =	vld [tilespmem:s1+$0xFFFFFF80]  }
0x89: {  	v43 =	vld [tilespmem:s1+$0xFFFFFF90]  }
0x8a: {  	v44 =	vld [tilespmem:s1+$0xFFFFFFA0]  }
0x8b: {  	v45 =	vld [tilespmem:s1+$0xFFFFFFB0]  }
0x8c: {  	v46 =	vld [tilespmem:s1+$0xFFFFFFC0];
	v27 =	vmax.f32 v27, $1.000000000e+00  }
0x8d: {  	v47 =	vld [tilespmem:s1+$0xFFFFFFD0];
	v27 =	vmul.f32 $2.560000000e+02, v27  }
0x8e: {  	v48 =	vld [tilespmem:s1+$0xFFFFFFE0]  }
0x8f: {  	v49 =	vld [tilespmem:s1+$0xFFFFFFF0];
	(erf) = vrcp.f32 v27  }
0x90: {  	v50 =	vld [tilespmem:s1+$0x10]  }
0x91: {  	v51 =	vld [tilespmem:s1+$0x20]  }
0x92: {  	v52 =	vld [tilespmem:s1+$0x30]  }
0x93: {  	v53 =	vld [tilespmem:s1+$0x40]  }
0x94: {  	v20 =	vmul.f32 v0, v20;
	v18 =	vadd.f32 v24, v18;
	v24 =	vld [tilespmem:s1+$0x50]  }
0x95: {  	v19 =	vadd.f32 v25, v19;
	v21 =	vmul.f32 v21, v0;
	v25 =	vld [tilespmem:s1+$0x60];
	v22 =	vmul.f32 v22, v0  }
0x96: {  	v20 =	vadd.f32 v20, v17;
	v17 =	vmul.f32 v23, v0;
	v23 =	vmul.f32 v26, v0;
	v26 =	vld [tilespmem:s1+$0x70]  }
0x97: {  	v15 =	vadd.f32 v21, v15;
	v16 =	vadd.f32 v22, v16;
	v22 =	vld [tilespmem:s1+$0x80];
	v21 =	vmul.f32 v28, v0  }
0x98: {  	v56 =	vadd.f32 v17, v13;
	v13 =	vmul.f32 v29, v0;
	v17 =	vmul.f32 v31, v0;
	v27 =	vld [tilespmem:s1+$0x0];
	[tilespmem:s28], [sflag:$0x2] =	stream.linear.gather [spmem:s14], $0x4C00, $0x38;
	v57 =	vpop (erf)  }
0x99: {  	v23 =	vadd.f32 v23, v14;
	v14 =	vmul.f32 v30, v0;
	v12 =	vadd.f32 v21, v12;
	_ =	swait.ge [sflag:s19], $0x4C00  }
0x9a: {  	v11 =	vadd.f32 v13, v11;
	v13 =	vmul.f32 v32, v0;
	v21 =	vmul.f32 v33, v0;
	[sflag:s19] =	ssyncset.done $0x0  }
0x9b: {  	s21 =	simm.s32 $0x0;
	v31 =	vadd.f32 v17, v10;
	v30 =	vadd.f32 v14, v9;
	v9 =	vmul.f32 v34, v0;
	[sflag:s19] =	ssyncadd.s32 $0xFFFFB400  }
0x9c: {  	v32 =	vadd.f32 v13, v7;
	v21 =	vadd.f32 v21, v8;
	v7 =	vmul.f32 v35, v0;
	v8 =	vld [tilespmem:s21+$0x7400]  }
0x9d: {  	v10 =	vmul.f32 v37, v0;
	v6 =	vadd.f32 v9, v6;
	v9 =	vmul.f32 v36, v0  }
0x9e: {  	v58 =	vadd.f32 v7, v2;
	v2 =	vmul.f32 v38, v0;
	v0 =	vmul.f32 v39, v0  }
0x9f: {  	v59 =	vadd.f32 v9, v1;
	v1 =	vmul.f32 v40, v57  }
0xa0: {  	v61 =	vadd.f32 v2, v3;
	v62 =	vadd.f32 v0, v4;
	v0 =	vmul.f32 v57, v41  }
0xa1: {  	v13 =	vadd.f32 v1, v18;
	v1 =	vmul.f32 v57, v42;
	v2 =	vmax.f32 v8, $1.000000000e+00  }
0xa2: {  	v17 =	vadd.f32 v0, v19;
	v0 =	vmul.f32 v43, v57;
	v2 =	vmul.f32 $2.560000000e+02, v2  }
0xa3: {  	v14 =	vadd.f32 v1, v20;
	v1 =	vmul.f32 v44, v57  }
0xa4: {  	v7 =	vadd.f32 v0, v15;
	v0 =	vmul.f32 v46, v57;
	(erf) = vrcp.f32 v2  }
0xa5: {  	v3 =	vmul.f32 v45, v57  }
0xa6: {  	v18 =	vadd.f32 v1, v16;
	v1 =	vmul.f32 v47, v57;
	v15 =	vadd.f32 v0, v23  }
0xa7: {  	v0 =	vmul.f32 v48, v57;
	v8 =	vadd.f32 v3, v56;
	v3 =	vmul.f32 v27, v57  }
0xa8: {  	s4 =	simm.s32 $0x2090;
	v60 =	vadd.f32 v10, v5;
	v9 =	vadd.f32 v1, v12;
	v2 =	vmul.f32 v49, v57  }
0xa9: {  	v5 =	vmul.f32 v50, v57;
	v10 =	vadd.f32 v0, v11;
	v27 =	vld [tilespmem:s4+$0x90];
	v4 =	vadd.f32 v3, v31  }
0xaa: {  	v63 =	vld [tilespmem:s4+$0xFFFFFF70];
	v3 =	vmul.f32 v52, v57;
	v1 =	vadd.f32 v2, v30;
	v2 =	vmul.f32 v51, v57  }
0xab: {  	v20 =	vld [tilespmem:s4+$0xFFFFFF80];
	v0 =	vadd.f32 v5, v32;
	v11 =	vmul.f32 v53, v57;
	v12 =	vmul.f32 v24, v57  }
0xac: {  	v5 =	vadd.f32 v3, v6;
	v6 =	vmul.f32 v25, v57;
	v2 =	vadd.f32 v2, v21;
	v21 =	vld [tilespmem:s4+$0xFFFFFF90]  }
0xad: {  	v16 =	vmul.f32 v26, v57;
	v24 =	vmul.f32 v22, v57;
	v22 =	vld [tilespmem:s4+$0xFFFFFFA0];
	v11 =	vadd.f32 v11, v58;
	v19 =	vpop (erf)  }
0xae: {  	v23 =	vld [tilespmem:s4+$0xFFFFFFB0];
	v3 =	vadd.f32 v12, v59;
	v12 =	vadd.f32 v6, v60;
	v25 =	vmul.f32 v27, v19  }
0xaf: {  	s20 =	simm.s32 $0x10;
	s1 =	simm.s32 $0x80;
	v6 =	vadd.f32 v16, v61;
	v16 =	vadd.f32 v24, v62;
	v24 =	vld [tilespmem:s4+$0xFFFFFFC0];
	v26 =	vmul.f32 v19, v63  }
.LBB2_8:
0xb0: {  	p0 =	sne.s32 s1, $0xFC0;
	v27 =	vld [tilespmem:s20+$0x7400];
	v20 =	vmul.f32 v19, v20;
	v13 =	vadd.f32 v25, v13  }
0xb1: {  	v17 =	vadd.f32 v26, v17;
	v21 =	vmul.f32 v21, v19;
	v25 =	vld [tilespmem:s4+$0xFFFFFFD0]  }
0xb2: {  	v14 =	vadd.f32 v20, v14;
	v20 =	vmul.f32 v22, v19;
	v22 =	vld [tilespmem:s4+$0xFFFFFFE0]  }
0xb3: {  	v7 =	vadd.f32 v21, v7;
	v21 =	vmul.f32 v23, v19;
	v23 =	vld [tilespmem:s4+$0xFFFFFFF0]  }
0xb4: {  	v18 =	vadd.f32 v20, v18;
	v20 =	vmul.f32 v24, v19;
	v24 =	vld [tilespmem:s4+$0x0]  }
0xb5: {  	v26 =	vmax.f32 v27, $1.000000000e+00;
	v8 =	vadd.f32 v21, v8;
	v21 =	vld [tilespmem:s4+$0x10]  }
0xb6: {  	v26 =	vmul.f32 $2.560000000e+02, v26;
	v15 =	vadd.f32 v20, v15;
	v20 =	vmul.f32 v25, v19;
	v25 =	vld [tilespmem:s4+$0x20]  }
0xb7: {  	v22 =	vmul.f32 v22, v19;
	v27 =	vld [tilespmem:s4+$0x30]  }
0xb8: {  	(erf) = vrcp.f32 v26;
	v9 =	vadd.f32 v20, v9;
	v20 =	vmul.f32 v23, v19;
	v23 =	vld [tilespmem:s4+$0x40]  }
0xb9: {  	v10 =	vadd.f32 v22, v10;
	v22 =	vmul.f32 v24, v19;
	v24 =	vld [tilespmem:s4+$0x50]  }
0xba: {  	v1 =	vadd.f32 v20, v1;
	v20 =	vmul.f32 v21, v19;
	v21 =	vld [tilespmem:s4+$0x60]  }
0xbb: {  	v4 =	vadd.f32 v22, v4;
	v22 =	vmul.f32 v25, v19;
	v25 =	vld [tilespmem:s4+$0x70]  }
0xbc: {  	v0 =	vadd.f32 v20, v0;
	v20 =	vmul.f32 v27, v19;
	v26 =	vld [tilespmem:s4+$0x80];
	s4 =	sadd.s32 $0x130, s4  }
0xbd: {  	v27 =	vld [tilespmem:s4+$0x90];
	v2 =	vadd.f32 v22, v2;
	v22 =	vmul.f32 v23, v19  }
0xbe: {  	v28 =	vld [tilespmem:s4+$0xFFFFFF70];
	v5 =	vadd.f32 v20, v5;
	v23 =	vmul.f32 v24, v19  }
.Ltmp3:
0xbf: {  	v20 =	vld [tilespmem:s4+$0xFFFFFF80];
	v11 =	vadd.f32 v22, v11;
	v24 =	vmul.f32 v21, v19;
	(pc) =	sbr.rel @p0 .LBB2_8-.Ltmp3, $4  }
0xc0: {  	v21 =	vld [tilespmem:s4+$0xFFFFFF90];
	v3 =	vadd.f32 v23, v3;
	v29 =	vmul.f32 v25, v19  }
0xc1: {  	v22 =	vld [tilespmem:s4+$0xFFFFFFA0];
	v12 =	vadd.f32 v24, v12;
	v30 =	vmul.f32 v26, v19;
	v19 =	vpop (erf)  }
0xc2: {  	v23 =	vld [tilespmem:s4+$0xFFFFFFB0];
	v25 =	vmul.f32 v27, v19;
	v6 =	vadd.f32 v29, v6  }
0xc3: {  	s20 =	sshra.s32 s1, $0x2;
	s1 =	sadd.s32 $0x40, s1;
	v26 =	vmul.f32 v19, v28;
	v24 =	vld [tilespmem:s4+$0xFFFFFFC0];
	v16 =	vadd.f32 v30, v16  }
0xc4: {  	v27 =	vld [tilespmem:s20+$0x7400]  }
0xc5: {  	v28 =	vld [tilespmem:s4+$0xFFFFFFD0]  }
0xc6: {  	v29 =	vld [tilespmem:s4+$0xFFFFFFE0]  }
0xc7: {  	v30 =	vld [tilespmem:s4+$0xFFFFFFF0]  }
0xc8: {  	v31 =	vld [tilespmem:s4+$0x0]  }
0xc9: {  	v32 =	vld [tilespmem:s4+$0x10]  }
0xca: {  	v33 =	vld [tilespmem:s4+$0x20]  }
0xcb: {  	v34 =	vld [tilespmem:s4+$0x30]  }
0xcc: {  	v35 =	vld [tilespmem:s4+$0x40]  }
0xcd: {  	v36 =	vld [tilespmem:s4+$0x50]  }
0xce: {  	v37 =	vld [tilespmem:s4+$0x60]  }
0xcf: {  	v38 =	vld [tilespmem:s4+$0x70]  }
0xd0: {  	v39 =	vld [tilespmem:s4+$0x80];
	s1 =	sadd.s32 $0x130, s4  }
0xd1: {  	v40 =	vld [tilespmem:s1+$0x90]  }
0xd2: {  	v41 =	vld [tilespmem:s1+$0xFFFFFF70]  }
0xd3: {  	v42 =	vld [tilespmem:s1+$0xFFFFFF80]  }
0xd4: {  	v43 =	vld [tilespmem:s1+$0xFFFFFF90]  }
0xd5: {  	v44 =	vld [tilespmem:s1+$0xFFFFFFA0]  }
0xd6: {  	v45 =	vld [tilespmem:s1+$0xFFFFFFB0]  }
0xd7: {  	v46 =	vld [tilespmem:s1+$0xFFFFFFC0];
	v27 =	vmax.f32 v27, $1.000000000e+00  }
0xd8: {  	v47 =	vld [tilespmem:s1+$0xFFFFFFD0];
	v27 =	vmul.f32 $2.560000000e+02, v27  }
0xd9: {  	v48 =	vld [tilespmem:s1+$0xFFFFFFE0]  }
0xda: {  	v49 =	vld [tilespmem:s1+$0xFFFFFFF0];
	(erf) = vrcp.f32 v27  }
0xdb: {  	v50 =	vld [tilespmem:s1+$0x10]  }
0xdc: {  	v51 =	vld [tilespmem:s1+$0x20]  }
0xdd: {  	v20 =	vmul.f32 v19, v20;
	v52 =	vld [tilespmem:s1+$0x30]  }
0xde: {  	v13 =	vadd.f32 v25, v13;
	v53 =	vld [tilespmem:s1+$0x40];
	v21 =	vmul.f32 v21, v19  }
0xdf: {  	v25 =	vld [tilespmem:s1+$0x50];
	v14 =	vadd.f32 v20, v14;
	v20 =	vmul.f32 v23, v19;
	v23 =	vmul.f32 v24, v19  }
0xe0: {  	v17 =	vadd.f32 v26, v17;
	v26 =	vld [tilespmem:s1+$0x60];
	v22 =	vmul.f32 v22, v19  }
0xe1: {  	v7 =	vadd.f32 v21, v7;
	v24 =	vld [tilespmem:s1+$0x70];
	v21 =	vmul.f32 v28, v19  }
0xe2: {  	v18 =	vadd.f32 v22, v18;
	v22 =	vld [tilespmem:s1+$0x80];
	v8 =	vadd.f32 v20, v8;
	v20 =	vmul.f32 v29, v19  }
0xe3: {  	v15 =	vadd.f32 v23, v15;
	v9 =	vadd.f32 v21, v9;
	v21 =	vmul.f32 v30, v19;
	v27 =	vld [tilespmem:s1+$0x0];
	[tilespmem:s28], [sflag:$0x2] =	stream.linear.gather [spmem:s15], $0x4C00, $0x38;
	v23 =	vpop (erf)  }
0xe4: {  	v10 =	vadd.f32 v20, v10;
	v20 =	vmul.f32 v32, v19;
	_ =	swait.ge [sflag:s19], $0x4C00  }
0xe5: {  	v58 =	vmul.f32 v31, v19;
	v1 =	vadd.f32 v21, v1;
	v21 =	vmul.f32 v34, v19;
	[sflag:s19] =	ssyncset.done $0x0  }
0xe6: {  	s21 =	simm.s32 $0x0;
	v59 =	vmul.f32 v33, v19;
	v0 =	vadd.f32 v20, v0;
	v20 =	vmul.f32 v35, v19;
	[sflag:s19] =	ssyncadd.s32 $0xFFFFB400  }
0xe7: {  	v61 =	vmul.f32 v37, v19;
	v5 =	vadd.f32 v21, v5;
	v21 =	vmul.f32 v36, v19;
	v60 =	vld [tilespmem:s21+$0x7800]  }
0xe8: {  	v11 =	vadd.f32 v20, v11;
	v20 =	vmul.f32 v38, v19;
	v19 =	vmul.f32 v39, v19  }
0xe9: {  	v3 =	vadd.f32 v21, v3;
	v21 =	vmul.f32 v40, v23  }
0xea: {  	v16 =	vadd.f32 v19, v16;
	v19 =	vmul.f32 v23, v41  }
0xeb: {  	v6 =	vadd.f32 v20, v6;
	v20 =	vmul.f32 v23, v42;
	v13 =	vadd.f32 v21, v13  }
0xec: {  	v17 =	vadd.f32 v19, v17;
	v19 =	vmul.f32 v43, v23;
	v21 =	vmax.f32 v60, $1.000000000e+00  }
0xed: {  	v14 =	vadd.f32 v20, v14;
	v20 =	vmul.f32 v44, v23;
	v21 =	vmul.f32 $2.560000000e+02, v21  }
0xee: {  	v7 =	vadd.f32 v19, v7;
	v19 =	vmul.f32 v46, v23  }
0xef: {  	v18 =	vadd.f32 v20, v18;
	v20 =	vmul.f32 v47, v23;
	(erf) = vrcp.f32 v21  }
0xf0: {  	v15 =	vadd.f32 v19, v15;
	v19 =	vmul.f32 v48, v23  }
0xf1: {  	v2 =	vadd.f32 v59, v2;
	v9 =	vadd.f32 v20, v9  }
0xf2: {  	v20 =	vmul.f32 v27, v23;
	v10 =	vadd.f32 v19, v10;
	v19 =	vmul.f32 v51, v23  }
0xf3: {  	s4 =	simm.s32 $0x2090;
	v4 =	vadd.f32 v58, v4;
	v27 =	vmul.f32 v50, v23;
	v21 =	vmul.f32 v49, v23  }
0xf4: {  	v25 =	vmul.f32 v25, v23;
	v63 =	vld [tilespmem:s4+$0x90];
	v2 =	vadd.f32 v19, v2;
	v19 =	vmul.f32 v53, v23  }
0xf5: {  	v0 =	vadd.f32 v27, v0;
	v27 =	vld [tilespmem:s4+$0xFFFFFF70];
	v1 =	vadd.f32 v21, v1;
	v21 =	vmul.f32 v52, v23  }
0xf6: {  	v12 =	vadd.f32 v61, v12;
	v62 =	vmul.f32 v45, v23;
	v4 =	vadd.f32 v20, v4;
	v20 =	vld [tilespmem:s4+$0xFFFFFF80]  }
0xf7: {  	v3 =	vadd.f32 v25, v3;
	v25 =	vmul.f32 v22, v23;
	v5 =	vadd.f32 v21, v5;
	v21 =	vld [tilespmem:s4+$0xFFFFFF90]  }
0xf8: {  	v26 =	vmul.f32 v26, v23;
	v24 =	vmul.f32 v24, v23;
	v22 =	vld [tilespmem:s4+$0xFFFFFFA0];
	v11 =	vadd.f32 v19, v11;
	v19 =	vpop (erf)  }
0xf9: {  	v8 =	vadd.f32 v62, v8;
	v16 =	vadd.f32 v25, v16;
	v23 =	vld [tilespmem:s4+$0xFFFFFFB0];
	v25 =	vmul.f32 v63, v19  }
0xfa: {  	s20 =	simm.s32 $0x10;
	s1 =	simm.s32 $0x80;
	v12 =	vadd.f32 v26, v12;
	v6 =	vadd.f32 v24, v6;
	v24 =	vld [tilespmem:s4+$0xFFFFFFC0];
	v26 =	vmul.f32 v19, v27  }
.LBB2_10:
0xfb: {  	p0 =	sne.s32 s1, $0xFC0;
	v27 =	vld [tilespmem:s20+$0x7800];
	v20 =	vmul.f32 v19, v20;
	v13 =	vadd.f32 v25, v13  }
0xfc: {  	v17 =	vadd.f32 v26, v17;
	v21 =	vmul.f32 v21, v19;
	v25 =	vld [tilespmem:s4+$0xFFFFFFD0]  }
0xfd: {  	v14 =	vadd.f32 v20, v14;
	v20 =	vmul.f32 v22, v19;
	v22 =	vld [tilespmem:s4+$0xFFFFFFE0]  }
0xfe: {  	v7 =	vadd.f32 v21, v7;
	v21 =	vmul.f32 v23, v19;
	v23 =	vld [tilespmem:s4+$0xFFFFFFF0]  }
0xff: {  	v18 =	vadd.f32 v20, v18;
	v20 =	vmul.f32 v24, v19;
	v24 =	vld [tilespmem:s4+$0x0]  }
0x100: {  	v26 =	vmax.f32 v27, $1.000000000e+00;
	v8 =	vadd.f32 v21, v8;
	v21 =	vld [tilespmem:s4+$0x10]  }
0x101: {  	v26 =	vmul.f32 $2.560000000e+02, v26;
	v15 =	vadd.f32 v20, v15;
	v20 =	vmul.f32 v25, v19;
	v25 =	vld [tilespmem:s4+$0x20]  }
0x102: {  	v22 =	vmul.f32 v22, v19;
	v27 =	vld [tilespmem:s4+$0x30]  }
0x103: {  	(erf) = vrcp.f32 v26;
	v9 =	vadd.f32 v20, v9;
	v20 =	vmul.f32 v23, v19;
	v23 =	vld [tilespmem:s4+$0x40]  }
0x104: {  	v10 =	vadd.f32 v22, v10;
	v22 =	vmul.f32 v24, v19;
	v24 =	vld [tilespmem:s4+$0x50]  }
0x105: {  	v1 =	vadd.f32 v20, v1;
	v20 =	vmul.f32 v21, v19;
	v21 =	vld [tilespmem:s4+$0x60]  }
0x106: {  	v4 =	vadd.f32 v22, v4;
	v22 =	vmul.f32 v25, v19;
	v25 =	vld [tilespmem:s4+$0x70]  }
0x107: {  	v0 =	vadd.f32 v20, v0;
	v20 =	vmul.f32 v27, v19;
	v26 =	vld [tilespmem:s4+$0x80];
	s4 =	sadd.s32 $0x130, s4  }
0x108: {  	v27 =	vld [tilespmem:s4+$0x90];
	v2 =	vadd.f32 v22, v2;
	v22 =	vmul.f32 v23, v19  }
0x109: {  	v28 =	vld [tilespmem:s4+$0xFFFFFF70];
	v5 =	vadd.f32 v20, v5;
	v23 =	vmul.f32 v24, v19  }
.Ltmp4:
0x10a: {  	v20 =	vld [tilespmem:s4+$0xFFFFFF80];
	v11 =	vadd.f32 v22, v11;
	v24 =	vmul.f32 v21, v19;
	(pc) =	sbr.rel @p0 .LBB2_10-.Ltmp4, $4  }
0x10b: {  	v21 =	vld [tilespmem:s4+$0xFFFFFF90];
	v3 =	vadd.f32 v23, v3;
	v29 =	vmul.f32 v25, v19  }
0x10c: {  	v22 =	vld [tilespmem:s4+$0xFFFFFFA0];
	v12 =	vadd.f32 v24, v12;
	v30 =	vmul.f32 v26, v19;
	v19 =	vpop (erf)  }
0x10d: {  	v23 =	vld [tilespmem:s4+$0xFFFFFFB0];
	v25 =	vmul.f32 v27, v19;
	v6 =	vadd.f32 v29, v6  }
0x10e: {  	s20 =	sshra.s32 s1, $0x2;
	s1 =	sadd.s32 $0x40, s1;
	v26 =	vmul.f32 v19, v28;
	v24 =	vld [tilespmem:s4+$0xFFFFFFC0];
	v16 =	vadd.f32 v30, v16  }
0x10f: {  	v27 =	vld [tilespmem:s20+$0x7800]  }
0x110: {  	v28 =	vld [tilespmem:s4+$0xFFFFFFD0]  }
0x111: {  	v29 =	vld [tilespmem:s4+$0xFFFFFFE0]  }
0x112: {  	v30 =	vld [tilespmem:s4+$0xFFFFFFF0]  }
0x113: {  	v31 =	vld [tilespmem:s4+$0x0]  }
0x114: {  	v32 =	vld [tilespmem:s4+$0x10]  }
0x115: {  	v33 =	vld [tilespmem:s4+$0x20]  }
0x116: {  	v34 =	vld [tilespmem:s4+$0x30]  }
0x117: {  	v35 =	vld [tilespmem:s4+$0x40]  }
0x118: {  	v36 =	vld [tilespmem:s4+$0x50]  }
0x119: {  	v37 =	vld [tilespmem:s4+$0x60]  }
0x11a: {  	v38 =	vld [tilespmem:s4+$0x70]  }
0x11b: {  	v39 =	vld [tilespmem:s4+$0x80];
	s1 =	sadd.s32 $0x130, s4  }
0x11c: {  	v40 =	vld [tilespmem:s1+$0x90]  }
0x11d: {  	v41 =	vld [tilespmem:s1+$0xFFFFFF70]  }
0x11e: {  	v42 =	vld [tilespmem:s1+$0xFFFFFF80]  }
0x11f: {  	v43 =	vld [tilespmem:s1+$0xFFFFFF90]  }
0x120: {  	v44 =	vld [tilespmem:s1+$0xFFFFFFA0]  }
0x121: {  	v45 =	vld [tilespmem:s1+$0xFFFFFFB0]  }
0x122: {  	v46 =	vld [tilespmem:s1+$0xFFFFFFC0];
	v27 =	vmax.f32 v27, $1.000000000e+00  }
0x123: {  	v47 =	vld [tilespmem:s1+$0xFFFFFFD0];
	v27 =	vmul.f32 $2.560000000e+02, v27  }
0x124: {  	v48 =	vld [tilespmem:s1+$0xFFFFFFE0]  }
0x125: {  	v49 =	vld [tilespmem:s1+$0xFFFFFFF0];
	(erf) = vrcp.f32 v27  }
0x126: {  	v50 =	vld [tilespmem:s1+$0x10]  }
0x127: {  	v51 =	vld [tilespmem:s1+$0x20]  }
0x128: {  	v20 =	vmul.f32 v19, v20;
	v52 =	vld [tilespmem:s1+$0x30]  }
0x129: {  	v13 =	vadd.f32 v25, v13;
	v53 =	vld [tilespmem:s1+$0x40]  }
0x12a: {  	v25 =	vld [tilespmem:s1+$0x50];
	v14 =	vadd.f32 v20, v14;
	v20 =	vmul.f32 v23, v19;
	v23 =	vmul.f32 v24, v19  }
0x12b: {  	v17 =	vadd.f32 v26, v17;
	v26 =	vld [tilespmem:s1+$0x60]  }
0x12c: {  	v58 =	vld [tilespmem:s1+$0x80]  }
0x12d: {  	v21 =	vmul.f32 v21, v19;
	v22 =	vmul.f32 v22, v19;
	v24 =	vld [tilespmem:s1+$0x70]  }
0x12e: {  	v8 =	vadd.f32 v20, v8;
	v20 =	vmul.f32 v29, v19;
	v15 =	vadd.f32 v23, v15;
	v27 =	vld [tilespmem:s1+$0x0];
	[tilespmem:s28], [sflag:$0x2] =	stream.linear.gather [spmem:s16], $0x4C00, $0x38;
	v23 =	vpop (erf)  }
0x12f: {  	v7 =	vadd.f32 v21, v7;
	v18 =	vadd.f32 v22, v18;
	v21 =	vmul.f32 v28, v19;
	_ =	swait.ge [sflag:s19], $0x4C00  }
0x130: {  	v22 =	vmul.f32 v31, v19;
	v20 =	vadd.f32 v20, v10;
	v10 =	vmul.f32 v32, v19;
	[sflag:s19] =	ssyncset.done $0x0  }
0x131: {  	s21 =	simm.s32 $0x0;
	v60 =	vmul.f32 v37, v19;
	v9 =	vadd.f32 v21, v9;
	v21 =	vmul.f32 v30, v19;
	[sflag:s19] =	ssyncadd.s32 $0xFFFFB400  }
0x132: {  	v4 =	vadd.f32 v22, v4;
	v22 =	vadd.f32 v10, v0;
	v0 =	vmul.f32 v35, v19;
	v10 =	vld [tilespmem:s21+$0x7C00]  }
0x133: {  	v59 =	vmul.f32 v33, v19;
	v1 =	vadd.f32 v21, v1;
	v21 =	vmul.f32 v34, v19  }
0x134: {  	v29 =	vadd.f32 v60, v12;
	v61 =	vadd.f32 v0, v11;
	v0 =	vmul.f32 v38, v19  }
0x135: {  	v5 =	vadd.f32 v21, v5;
	v21 =	vmul.f32 v36, v19;
	v11 =	vmul.f32 v39, v19  }
0x136: {  	v62 =	vadd.f32 v0, v6;
	v12 =	vmul.f32 v40, v23;
	v6 =	vmul.f32 v23, v41  }
0x137: {  	v63 =	vadd.f32 v11, v16;
	v11 =	vmul.f32 v23, v42;
	v10 =	vmax.f32 v10, $1.000000000e+00  }
0x138: {  	v0 =	vadd.f32 v12, v13;
	v12 =	vadd.f32 v6, v17;
	v10 =	vmul.f32 $2.560000000e+02, v10  }
0x139: {  	v6 =	vmul.f32 v43, v23;
	v16 =	vadd.f32 v11, v14;
	v11 =	vmul.f32 v44, v23  }
0x13a: {  	v2 =	vadd.f32 v59, v2;
	v13 =	vmul.f32 v45, v23;
	(erf) = vrcp.f32 v10  }
0x13b: {  	v3 =	vadd.f32 v21, v3;
	v17 =	vadd.f32 v6, v7;
	v6 =	vmul.f32 v46, v23  }
0x13c: {  	v19 =	vadd.f32 v11, v18;
	v18 =	vadd.f32 v13, v8;
	v8 =	vmul.f32 v49, v23  }
0x13d: {  	v7 =	vmul.f32 v47, v23;
	v13 =	vadd.f32 v6, v15;
	v6 =	vmul.f32 v48, v23  }
0x13e: {  	s4 =	simm.s32 $0x2090;
	v24 =	vmul.f32 v24, v23;
	v11 =	vadd.f32 v8, v1;
	v1 =	vmul.f32 v51, v23  }
0x13f: {  	v14 =	vadd.f32 v6, v20;
	v20 =	vld [tilespmem:s4+$0x90];
	v10 =	vadd.f32 v7, v9;
	v7 =	vmul.f32 v27, v23  }
0x140: {  	v8 =	vadd.f32 v1, v2;
	v1 =	vmul.f32 v53, v23;
	v9 =	vmul.f32 v50, v23;
	v27 =	vld [tilespmem:s4+$0xFFFFFF70]  }
0x141: {  	v21 =	vld [tilespmem:s4+$0xFFFFFF80];
	v2 =	vmul.f32 v25, v23;
	v15 =	vadd.f32 v7, v4;
	v4 =	vmul.f32 v52, v23  }
0x142: {  	v9 =	vadd.f32 v9, v22;
	v22 =	vld [tilespmem:s4+$0xFFFFFF90];
	v7 =	vadd.f32 v1, v61;
	v1 =	vmul.f32 v58, v23  }
0x143: {  	v6 =	vadd.f32 v4, v5;
	v4 =	vmul.f32 v26, v23;
	v5 =	vadd.f32 v2, v3;
	v23 =	vld [tilespmem:s4+$0xFFFFFFA0];
	v3 =	vpop (erf)  }
0x144: {  	v2 =	vadd.f32 v24, v62;
	v24 =	vld [tilespmem:s4+$0xFFFFFFB0];
	v20 =	vmul.f32 v20, v3  }
0x145: {  	s20 =	simm.s32 $0x10;
	s1 =	simm.s32 $0x80;
	v25 =	vld [tilespmem:s4+$0xFFFFFFC0];
	v1 =	vadd.f32 v1, v63;
	v4 =	vadd.f32 v4, v29;
	v26 =	vmul.f32 v3, v27  }
.LBB2_12:
0x146: {  	p0 =	sne.s32 s1, $0xFC0;
	v27 =	vld [tilespmem:s20+$0x7C00];
	v21 =	vmul.f32 v3, v21;
	v0 =	vadd.f32 v20, v0  }
0x147: {  	v12 =	vadd.f32 v26, v12;
	v20 =	vmul.f32 v22, v3;
	v22 =	vld [tilespmem:s4+$0xFFFFFFD0]  }
0x148: {  	v16 =	vadd.f32 v21, v16;
	v21 =	vmul.f32 v23, v3;
	v23 =	vld [tilespmem:s4+$0xFFFFFFE0]  }
0x149: {  	v17 =	vadd.f32 v20, v17;
	v20 =	vmul.f32 v24, v3;
	v24 =	vld [tilespmem:s4+$0xFFFFFFF0]  }
0x14a: {  	v19 =	vadd.f32 v21, v19;
	v21 =	vmul.f32 v25, v3;
	v25 =	vld [tilespmem:s4+$0x0]  }
0x14b: {  	v26 =	vmax.f32 v27, $1.000000000e+00;
	v18 =	vadd.f32 v20, v18;
	v20 =	vld [tilespmem:s4+$0x10]  }
0x14c: {  	v26 =	vmul.f32 $2.560000000e+02, v26;
	v13 =	vadd.f32 v21, v13;
	v21 =	vmul.f32 v22, v3;
	v22 =	vld [tilespmem:s4+$0x20]  }
0x14d: {  	v23 =	vmul.f32 v23, v3;
	v27 =	vld [tilespmem:s4+$0x30]  }
0x14e: {  	(erf) = vrcp.f32 v26;
	v10 =	vadd.f32 v21, v10;
	v21 =	vmul.f32 v24, v3;
	v24 =	vld [tilespmem:s4+$0x40]  }
0x14f: {  	v14 =	vadd.f32 v23, v14;
	v23 =	vmul.f32 v25, v3;
	v25 =	vld [tilespmem:s4+$0x50]  }
0x150: {  	v11 =	vadd.f32 v21, v11;
	v20 =	vmul.f32 v20, v3;
	v26 =	vld [tilespmem:s4+$0x60]  }
0x151: {  	v15 =	vadd.f32 v23, v15;
	v21 =	vmul.f32 v22, v3;
	v23 =	vld [tilespmem:s4+$0x70]  }
0x152: {  	v9 =	vadd.f32 v20, v9;
	v20 =	vmul.f32 v27, v3;
	v27 =	vld [tilespmem:s4+$0x80];
	s4 =	sadd.s32 $0x130, s4  }
0x153: {  	v28 =	vld [tilespmem:s4+$0x90];
	v8 =	vadd.f32 v21, v8;
	v22 =	vmul.f32 v24, v3  }
0x154: {  	v29 =	vld [tilespmem:s4+$0xFFFFFF70];
	v6 =	vadd.f32 v20, v6;
	v20 =	vmul.f32 v25, v3  }
.Ltmp5:
0x155: {  	v21 =	vld [tilespmem:s4+$0xFFFFFF80];
	v7 =	vadd.f32 v22, v7;
	v24 =	vmul.f32 v26, v3;
	(pc) =	sbr.rel @p0 .LBB2_12-.Ltmp5, $4  }
0x156: {  	v22 =	vld [tilespmem:s4+$0xFFFFFF90];
	v5 =	vadd.f32 v20, v5;
	v25 =	vmul.f32 v23, v3  }
0x157: {  	v23 =	vld [tilespmem:s4+$0xFFFFFFA0];
	v4 =	vadd.f32 v24, v4;
	v27 =	vmul.f32 v27, v3;
	v3 =	vpop (erf)  }
0x158: {  	v24 =	vld [tilespmem:s4+$0xFFFFFFB0];
	v20 =	vmul.f32 v28, v3;
	v2 =	vadd.f32 v25, v2  }
0x159: {  	s20 =	sshra.s32 s1, $0x2;
	s1 =	sadd.s32 $0x40, s1;
	v26 =	vmul.f32 v3, v29;
	v25 =	vld [tilespmem:s4+$0xFFFFFFC0];
	v1 =	vadd.f32 v27, v1  }
0x15a: {  	v27 =	vld [tilespmem:s20+$0x7C00]  }
0x15b: {  	v28 =	vld [tilespmem:s4+$0xFFFFFFD0]  }
0x15c: {  	v29 =	vld [tilespmem:s4+$0xFFFFFFE0]  }
0x15d: {  	v30 =	vld [tilespmem:s4+$0xFFFFFFF0]  }
0x15e: {  	v31 =	vld [tilespmem:s4+$0x0]  }
0x15f: {  	v32 =	vld [tilespmem:s4+$0x10]  }
0x160: {  	v33 =	vld [tilespmem:s4+$0x20]  }
0x161: {  	v34 =	vld [tilespmem:s4+$0x30]  }
0x162: {  	v35 =	vld [tilespmem:s4+$0x40]  }
0x163: {  	v36 =	vld [tilespmem:s4+$0x50]  }
0x164: {  	v37 =	vld [tilespmem:s4+$0x60]  }
0x165: {  	v38 =	vld [tilespmem:s4+$0x70]  }
0x166: {  	v39 =	vld [tilespmem:s4+$0x80];
	s1 =	sadd.s32 $0x130, s4  }
0x167: {  	v40 =	vld [tilespmem:s1+$0x90]  }
0x168: {  	v41 =	vld [tilespmem:s1+$0xFFFFFF70];
	v27 =	vmax.f32 v27, $1.000000000e+00  }
0x169: {  	v42 =	vld [tilespmem:s1+$0xFFFFFF80];
	v27 =	vmul.f32 $2.560000000e+02, v27  }
0x16a: {  	v43 =	vld [tilespmem:s1+$0xFFFFFF90]  }
0x16b: {  	v44 =	vld [tilespmem:s1+$0xFFFFFFA0];
	(erf) = vrcp.f32 v27  }
0x16c: {  	v45 =	vld [tilespmem:s1+$0xFFFFFFC0]  }
0x16d: {  	v46 =	vld [tilespmem:s1+$0xFFFFFFD0]  }
0x16e: {  	v47 =	vld [tilespmem:s1+$0xFFFFFFE0]  }
0x16f: {  	v21 =	vmul.f32 v3, v21;
	v48 =	vld [tilespmem:s1+$0xFFFFFFF0]  }
0x170: {  	v0 =	vadd.f32 v20, v0;
	v22 =	vmul.f32 v22, v3;
	v49 =	vld [tilespmem:s1+$0x0];
	v23 =	vmul.f32 v23, v3  }
0x171: {  	v12 =	vadd.f32 v26, v12;
	v26 =	vld [tilespmem:s1+$0x30];
	v50 =	vmul.f32 v24, v3;
	v51 =	vmul.f32 v25, v3  }
0x172: {  	v57 =	vld [tilespmem:s1+$0x50];
	v16 =	vadd.f32 v21, v16;
	v52 =	vmul.f32 v28, v3;
	v53 =	vmul.f32 v29, v3  }
0x173: {  	v61 =	vld [tilespmem:s1+$0x70];
	v17 =	vadd.f32 v22, v17;
	v54 =	vmul.f32 v30, v3;
	v55 =	vmul.f32 v31, v3  }
0x174: {  	v63 =	vld [tilespmem:s1+$0x80];
	v19 =	vadd.f32 v23, v19;
	v59 =	vmul.f32 v32, v3;
	v33 =	vmul.f32 v33, v3;
	v29 =	vpop (erf)  }
0x175: {  	v24 =	vld [tilespmem:s1+$0x10];
	v18 =	vadd.f32 v50, v18;
	v50 =	vmul.f32 v36, v3;
	v56 =	vmul.f32 v29, v41  }
0x176: {  	v23 =	vld [tilespmem:s1+$0x20];
	v13 =	vadd.f32 v51, v13;
	v10 =	vadd.f32 v52, v10;
	v58 =	vmul.f32 v29, v42  }
0x177: {  	v30 =	vld [tilespmem:s1+$0x40];
	v14 =	vadd.f32 v53, v14;
	v60 =	vmul.f32 v43, v29;
	v12 =	vadd.f32 v56, v12  }
0x178: {  	v28 =	vld [tilespmem:s1+$0x60];
	v11 =	vadd.f32 v54, v11;
	v62 =	vmul.f32 v44, v29;
	v16 =	vadd.f32 v58, v16  }
0x179: {  	v15 =	vadd.f32 v55, v15;
	v27 =	vld [tilespmem:s1+$0xFFFFFFB0];
	v43 =	vmul.f32 v45, v29;
	v17 =	vadd.f32 v60, v17;
	[tilespmem:$0x8000] =	vst v12  }
0x17a: {  	v9 =	vadd.f32 v59, v9;
	v45 =	vmul.f32 v46, v29;
	v19 =	vadd.f32 v62, v19;
	[tilespmem:$0x8010] =	vst v16  }
0x17b: {  	v8 =	vadd.f32 v33, v8;
	v47 =	vmul.f32 v47, v29;
	v13 =	vadd.f32 v43, v13;
	[tilespmem:$0x8020] =	vst v17  }
0x17c: {  	v52 =	vmul.f32 v37, v3;
	v48 =	vmul.f32 v48, v29;
	v10 =	vadd.f32 v45, v10;
	[tilespmem:$0x8030] =	vst v19  }
0x17d: {  	v5 =	vadd.f32 v50, v5;
	v51 =	vmul.f32 v24, v29;
	v14 =	vadd.f32 v47, v14;
	[tilespmem:$0x8050] =	vst v13  }
0x17e: {  	v55 =	vmul.f32 v38, v3;
	v53 =	vmul.f32 v23, v29;
	v11 =	vadd.f32 v48, v11;
	[tilespmem:$0x8060] =	vst v10  }
0x17f: {  	v4 =	vadd.f32 v52, v4;
	v57 =	vmul.f32 v57, v29;
	v9 =	vadd.f32 v51, v9;
	[tilespmem:$0x8070] =	vst v14  }
0x180: {  	v42 =	vmul.f32 v27, v29;
	v59 =	vmul.f32 v28, v29;
	v8 =	vadd.f32 v53, v8;
	[tilespmem:$0x8080] =	vst v11  }
0x181: {  	v44 =	vmul.f32 v34, v3;
	v46 =	vmul.f32 v35, v3;
	v5 =	vadd.f32 v57, v5;
	[tilespmem:$0x80A0] =	vst v9  }
0x182: {  	v49 =	vmul.f32 v49, v29;
	v60 =	vmul.f32 v61, v29;
	v61 =	vadd.f32 v59, v4;
	[tilespmem:$0x80B0] =	vst v8  }
0x183: {  	v54 =	vmul.f32 v26, v29;
	v6 =	vadd.f32 v44, v6;
	v12 =	vadd.f32 v42, v18;
	[tilespmem:$0x80E0] =	vst v5  }
0x184: {  	v7 =	vadd.f32 v46, v7;
	v56 =	vmul.f32 v30, v29;
	v13 =	vadd.f32 v49, v15;
	[tilespmem:$0x80F0] =	vst v61  }
0x185: {  	v2 =	vadd.f32 v55, v2;
	v58 =	vmul.f32 v39, v3;
	v6 =	vadd.f32 v54, v6;
	[tilespmem:$0x8040] =	vst v12  }
0x186: {  	v62 =	vmul.f32 v63, v29;
	v63 =	vmul.f32 v40, v29;
	v7 =	vadd.f32 v56, v7;
	[tilespmem:$0x8090] =	vst v13  }
0x187: {  	v1 =	vadd.f32 v58, v1;
	v2 =	vadd.f32 v60, v2;
	[tilespmem:$0x80C0] =	vst v6  }
0x188: {  	v0 =	vadd.f32 v63, v0;
	[tilespmem:$0x80D0] =	vst v7  }
0x189: {  	s0 =	sadd.s32 $0x1, s0;
	v1 =	vadd.f32 v62, v1;
	[tilespmem:$0x8100] =	vst v2  }
0x18a: {  	p0 =	sne.s32 s0, s18;
	[tilespmem:$0x8120] =	vst v0  }
.Ltmp6:
0x18b: {  	[tilespmem:$0x8110] =	vst v1;
	(pc) =	sbr.rel @p0 .LBB2_1-.Ltmp6, $4  }
0x18c: {  	[hbm4b:s17+s5] =	stream.linear.scatter [tilespmem:s31], [sflag:$0x2], $0x130, $0x38;
	[tilespmem:$0x1C130] =	vst v63  }
0x18d: {  	_ =	swait.ge [sflag:s19], $0x130  }
0x18e: {  	[sflag:s19] =	ssyncset.done $0x0  }
0x18f: {  	[sflag:s19] =	ssyncadd.s32 $0xFFFFFED0  }
0x190: {  	_ =	sfence.sel $0x180000  }
0x191: {  	[bflag:$0x0] =	sbarrier.arrive $0xFFFF  }
0x192: {  	_ =	strace $0x90000047  }
0x193: {  	s0 =	stileid.u32;
	[bflag:$0x2] =	sbarrier.arrive $0xFFFF  }
0x194: {  	p0 =	sne.s32 s0, $0x0;
	s0 =	rddreg [dreg:$0x4]  }
0x195: {  	s0 =	sadd.s32 @!p0 $0x100000, s0  }
0x196: {  	[sflag:s0] =	ssyncadd.tile.s32 @!p0 $0x1;
	_ =	shalt  }
.Lfunc_end2:
_tile_overlayer_lowered:
.L_overlay_start_2:
0x197: {  	(tag) =	ssettag $0x2  }
0x198: {  	s0 =	rddreg [dreg:$0x0];
	s2 =	stileid.u32  }
0x199: {  	s1 =	rddreg [dreg:$0x1];
	p0 =	sne.s32 s2, $0x0  }
0x19a: {  	s3 =	rddreg [dreg:$0x2];
	[bflag:$0x3] =	sbarrier.arrive $0xFFFF;
	s2 =	simm.s32 @!p0 $0x1C02  }
0x19b: {  	[timem:s3], [sflag:s2] =	dma.local @!p0 [hbm:s0], s1  }
0x19c: {  	s0 =	simm.s32 @!p0 $0x2  }
0x19d: {  	_ =	swait.ge @!p0 [sflag:s0], s1  }
0x19e: {  	s1 =	ssub.s32 @!p0 $0x0, s1;
	[sflag:s0] =	ssyncset.done @!p0 $0x0  }
0x19f: {  	[sflag:s0] =	ssyncadd.s32 @!p0 s1  }
0x1a0: {  	[bflag:$0x3] =	sbarrier.arrive $0xFFFF  }
0x1a1: {  	_ =	shalt  }

</sc_bundles>
